<compile_context>
chip_gen: v7x
topology: tpu7x:2x2x1
jax: 0.10.2.dev20260603
libtpu: 0.0.44.dev20260713+nightly
codegen_flags: <defaults>
</compile_context>

<pallas_src>
import jax
import jax.numpy as jnp
from jax import lax
from jax.experimental import pallas as pl
from jax.experimental.pallas import tpu as pltpu
from jax.experimental.pallas import tpu_sc as plsc

_RATE = 0.3
_B, _S, _F = 16384, 20, 64
_NCAT, _NNUM = 8, 16
_BBLK = 256

_NW = 32
_ROWS = _NCAT * _B
_RPW = _ROWS // _NW
_CH = 128
_NCHUNK = _RPW // _CH
_CPR = 4
_NROUND = _NCHUNK // _CPR
_TW = 32


def _sc_gather_body(tab_ref, idx_ref, out_ref, idx_v, rows_v, sem):
    wid = lax.axis_index("s") * 2 + lax.axis_index("c")
    base = wid * _RPW
    pltpu.sync_copy(idx_ref.at[wid], idx_v)
    for r in range(_NROUND):
        descs = [
            pltpu.async_copy(tab_ref.at[idx_v.at[r * _CPR + k]],
                             rows_v.at[pl.ds(k * _CH, _CH)], sem)
            for k in range(_CPR)
        ]
        for d in descs:
            d.wait()
        pltpu.sync_copy(rows_v,
                        out_ref.at[pl.ds(base + r * _CPR * _CH, _CPR * _CH)])


def _gather_rows(table, idx):
    mesh = plsc.VectorSubcoreMesh(core_axis_name="c", subcore_axis_name="s")
    return pl.kernel(
        _sc_gather_body,
        out_type=jax.ShapeDtypeStruct((_ROWS, _TW), jnp.float32),
        mesh=mesh,
        scratch_types=[
            pltpu.VMEM((_NCHUNK, _CH), jnp.int32),
            pltpu.VMEM((_CPR * _CH, _TW), jnp.float32),
            pltpu.SemaphoreType.DMA,
        ],
        compiler_params=pltpu.CompilerParams(use_tc_tiling_on_sc=False),
    )(table, idx.reshape(_NW, _NCHUNK, _CH))


def _prep_body(x_ref, xt_ref, o_ref):
    g = pl.program_id(0)
    xb = x_ref[...]
    xr = xb.reshape(_BBLK, _S, _F)
    t = jnp.transpose(xr[:, :, :_NCAT], (0, 2, 1))
    t = jnp.concatenate(
        [t, jnp.zeros((_BBLK, _NCAT, _TW - _S), jnp.float32)], axis=-1)
    xt_ref[...] = t.reshape(_BBLK, _NCAT * _TW)
    xn = xr[:, :, _NCAT:_NCAT + _NNUM]
    s1 = jnp.sum(xn, axis=(0, 1))
    s2 = jnp.sum(xn * xn, axis=(0, 1))
    part = jnp.stack([s1, s2])

    @pl.when(g == 0)
    def _init():
        o_ref[...] = part

    @pl.when(g > 0)
    def _acc():
        o_ref[...] = o_ref[...] + part


_KM1, _KM2 = 0x6D3E048F, 0x1022172D


def _threefry_mask(flat_idx):
    rots = ((13, 15, 26, 6), (17, 29, 16, 24))
    ks = (jnp.uint32(_KM1), jnp.uint32(_KM2),
          jnp.uint32(_KM1 ^ _KM2 ^ 0x1BD11BDA))
    x0 = jnp.zeros_like(flat_idx) + ks[0]
    x1 = flat_idx + ks[1]
    for rr, a, b, c in ((0, 1, 2, 1), (1, 2, 0, 2), (0, 0, 1, 3),
                        (1, 1, 2, 4), (0, 2, 0, 5)):
        for r in rots[rr]:
            x0 = x0 + x1
            x1 = (x1 << r) | (x1 >> (32 - r))
            x1 = x0 ^ x1
        x0 = x0 + ks[a]
        x1 = x1 + ks[b] + jnp.uint32(c)
    bits = x0 ^ x1
    return lax.bitcast_convert_type(
        (bits >> 9) | jnp.uint32(0x3F800000), jnp.float32) - 1.0


def _merge_body(x_ref, shuf_ref, noise_ref, sums_ref, o_ref, m_ref):
    g = pl.program_id(0)
    xb = x_ref[...]
    xr = xb.reshape(_BBLK, _S, _F)
    row = lax.broadcasted_iota(jnp.uint32, (_BBLK, _S * _F), 0)
    lane = lax.broadcasted_iota(jnp.uint32, (_BBLK, _S * _F), 1)
    flat = (jnp.uint32(g) * _BBLK + row) * (_S * _F) + lane
    u = _threefry_mask(flat)
    m_ref[...] = (u < _RATE).astype(jnp.int8)
    m = u.reshape(_BBLK, _S, _F) < _RATE
    sums = sums_ref[...]
    n = jnp.float32(_B * _S)
    var = (sums[1] - sums[0] * sums[0] / n) / (n - 1.0)
    std = jnp.sqrt(var)
    sb = shuf_ref[...].reshape(_BBLK, _NCAT, _TW)
    cat = jnp.transpose(sb, (0, 2, 1))[:, :_S, :]
    nb = noise_ref[...].reshape(_NNUM, _BBLK, _S)
    nz = jnp.transpose(nb, (1, 2, 0))
    repl = jnp.concatenate(
        [cat, nz * std[None, None, :], xr[:, :, _NCAT + _NNUM:]], axis=-1)
    o_ref[...] = jnp.where(m, repl, xr).reshape(_BBLK, _S * _F)


def kernel(x):
    k = jax.random.key(42)
    _, k_rest = jax.random.split(k)

    perms = jnp.stack(
        [jax.random.permutation(jax.random.fold_in(k_rest, i), _B)
         for i in range(_NCAT)])
    idx_flat = (perms.T.astype(jnp.int32) * _NCAT
                + jnp.arange(_NCAT, dtype=jnp.int32)[None, :]).reshape(-1)

    nkeys = jax.vmap(lambda j: jax.random.fold_in(k_rest, j))(
        jnp.arange(1000, 1000 + _NNUM))
    noiseT = jax.vmap(
        lambda kk: jax.random.normal(kk, (_B * _S,), jnp.float32))(nkeys)

    x2 = x.reshape(_B, _S * _F)
    xT, sums = pl.pallas_call(
        _prep_body,
        grid=(_B // _BBLK,),
        in_specs=[pl.BlockSpec((_BBLK, _S * _F), lambda g: (g, 0))],
        out_specs=[
            pl.BlockSpec((_BBLK, _NCAT * _TW), lambda g: (g, 0)),
            pl.BlockSpec((2, _NNUM), lambda g: (0, 0)),
        ],
        out_shape=[
            jax.ShapeDtypeStruct((_B, _NCAT * _TW), jnp.float32),
            jax.ShapeDtypeStruct((2, _NNUM), jnp.float32),
        ],
    )(x2)
    shufT = _gather_rows(xT.reshape(_ROWS, _TW), idx_flat)

    corrupted, mask8 = pl.pallas_call(
        _merge_body,
        grid=(_B // _BBLK,),
        in_specs=[
            pl.BlockSpec((_BBLK, _S * _F), lambda g: (g, 0)),
            pl.BlockSpec((_BBLK, _NCAT * _TW), lambda g: (g, 0)),
            pl.BlockSpec((_NNUM, _BBLK * _S), lambda g: (0, g)),
            pl.BlockSpec((2, _NNUM), lambda g: (0, 0)),
        ],
        out_specs=[
            pl.BlockSpec((_BBLK, _S * _F), lambda g: (g, 0)),
            pl.BlockSpec((_BBLK, _S * _F), lambda g: (g, 0)),
        ],
        out_shape=[
            jax.ShapeDtypeStruct((_B, _S * _F), jnp.float32),
            jax.ShapeDtypeStruct((_B, _S * _F), jnp.int8),
        ],
    )(x2, shufT.reshape(_B, _NCAT * _TW), noiseT, sums)

    mask = mask8.reshape(_B, _S, _F).astype(jnp.bool_)
    return corrupted.reshape(_B, _S, _F), mask, x

# --- scband reference (transcript-rebuilt; emitter-appended) ---
"""Pipeline reference for scband-vimecorruption-46892452938436 (READ-ONLY COPY).

The authoritative reference and input builder live on the scoring server;
editing this copy changes nothing except your own understanding.
"""

import jax, jax.numpy as jnp
import numpy as np

CORRUPTION_RATE = 0.3
CAT_IDX = [0, 1, 2, 3, 4, 5, 6, 7]
NUM_IDX = [8, 9, 10, 11, 12, 13, 14, 15, 16, 17, 18, 19, 20, 21, 22, 23]


def setup_inputs(seed: int = 0) -> dict:
    key = jax.random.key(seed)
    x = jax.random.normal(key, (16384, 20, 64), dtype=jnp.float32)
    return {"x": x}


def reference(x):
    B, S, F = x.shape
    k = jax.random.key(42)
    k_mask, k_rest = jax.random.split(k)
    mask = jax.random.uniform(k_mask, (B, S, F)) < CORRUPTION_RATE
    corrupted = x
    # categorical columns: shuffle values across the batch where masked
    for i, idx in enumerate(CAT_IDX):
        if idx < F:
            kk = jax.random.fold_in(k_rest, i)
            perm = jax.random.permutation(kk, B)
            col = corrupted[:, :, idx]
            shuffled = col[perm, :]
            corrupted = corrupted.at[:, :, idx].set(
                jnp.where(mask[:, :, idx], shuffled, col)
            )
    # numerical columns: replace masked entries with gaussian noise scaled by column std
    for j, idx in enumerate(NUM_IDX):
        if idx < F:
            kk = jax.random.fold_in(k_rest, 1000 + j)
            col = corrupted[:, :, idx]
            noise = jax.random.normal(kk, col.shape, dtype=col.dtype) * jnp.std(col, ddof=1)
            corrupted = corrupted.at[:, :, idx].set(
                jnp.where(mask[:, :, idx], noise, col)
            )
    return corrupted, mask, x

if __name__ == "__main__":
    import jax
    _d = setup_inputs()
    print(jax.jit(kernel)(*tuple(_d.values())))

</pallas_src>

<mosaic_0001>
#map = affine_map<(d0, d1) -> (0, 0)>
#map1 = affine_map<(d0, d1) -> (0, 0, 0)>
module attributes {stable_mosaic.version = 14 : i64} {
  func.func @_sc_gather_body(%arg0: i32, %arg1: i32, %arg2: memref<131072x32xf32, #tpu.memory_space<hbm>>, %arg3: memref<32x32x128xi32, #tpu.memory_space<hbm>>, %arg4: memref<131072x32xf32, #tpu.memory_space<hbm>>, %arg5: memref<32x128xi32, #tpu.memory_space<vmem>>, %arg6: memref<512x32xf32, #tpu.memory_space<vmem>>, %arg7: memref<!tpu.dma_semaphore, #tpu.memory_space<semaphore_mem>>) attributes {dimension_semantics = [#tpu.dimension_semantics<core_parallel>, #tpu.dimension_semantics<subcore_parallel>], iteration_bounds = array<i64: 2, 16>, scalar_prefetch = 0 : i64, scratch_operands = 3 : i64, tpu.core_type = #tpu.core_type<sc_vector_subcore>, window_params = [{transform_indices = #map}, {transform_indices = #map1}, {transform_indices = #map}]} {
    %mul3A = arith.constant 2 : i32
    %mul3A_0 = arith.muli %arg1, %mul3A : i32
    %add3A = arith.addi %mul3A_0, %arg0 : i32
    %mul3A_1 = arith.constant 4096 : i32
    %mul3A_2 = arith.muli %add3A, %mul3A_1 : i32
    "tpu.region"() ({
      %run_scoped3A = tpu.sem_alloc : memref<!tpu.dma_semaphore, #tpu.memory_space<semaphore_mem>>
      %dma_start3A_657 = arith.constant 0 : i32
      %dma_start3A_658 = arith.constant 0 : i32
      %dma_start3A_659 = tpu.memref_slice %arg3[%add3A, %dma_start3A_657, %dma_start3A_658] : memref<32x32x128xi32, #tpu.memory_space<hbm>> -> memref<1x32x128xi32, #tpu.memory_space<hbm>>
      %dma_start3A_660 = tpu.memref_squeeze %dma_start3A_659 : memref<1x32x128xi32, #tpu.memory_space<hbm>> -> memref<32x128xi32, #tpu.memory_space<hbm>>
      %dma_start3A_661 = arith.constant 0 : i32
      %dma_start3A_662 = arith.constant 0 : i32
      %dma_start3A_663 = tpu.memref_slice %arg3[%add3A, %dma_start3A_661, %dma_start3A_662] : memref<32x32x128xi32, #tpu.memory_space<hbm>> -> memref<1x32x128xi32, #tpu.memory_space<hbm>>
      %dma_start3A_664 = tpu.memref_squeeze %dma_start3A_663 : memref<1x32x128xi32, #tpu.memory_space<hbm>> -> memref<32x128xi32, #tpu.memory_space<hbm>>
      tpu.enqueue_dma source(%dma_start3A_664 : memref<32x128xi32, #tpu.memory_space<hbm>>) target(%arg5 : memref<32x128xi32, #tpu.memory_space<vmem>>) target_semaphore(%run_scoped3A : memref<!tpu.dma_semaphore, #tpu.memory_space<semaphore_mem>>)
      %dma_wait3A_665 = arith.constant 0 : i32
      %dma_wait3A_666 = arith.constant 0 : i32
      %dma_wait3A_667 = tpu.memref_slice %arg3[%add3A, %dma_wait3A_665, %dma_wait3A_666] : memref<32x32x128xi32, #tpu.memory_space<hbm>> -> memref<1x32x128xi32, #tpu.memory_space<hbm>>
      %dma_wait3A_668 = tpu.memref_squeeze %dma_wait3A_667 : memref<1x32x128xi32, #tpu.memory_space<hbm>> -> memref<32x128xi32, #tpu.memory_space<hbm>>
      %dma_wait3A_669 = arith.constant 0 : i32
      %dma_wait3A_670 = arith.constant 0 : i32
      %dma_wait3A_671 = tpu.memref_slice %arg3[%add3A, %dma_wait3A_669, %dma_wait3A_670] : memref<32x32x128xi32, #tpu.memory_space<hbm>> -> memref<1x32x128xi32, #tpu.memory_space<hbm>>
      %dma_wait3A_672 = tpu.memref_squeeze %dma_wait3A_671 : memref<1x32x128xi32, #tpu.memory_space<hbm>> -> memref<32x128xi32, #tpu.memory_space<hbm>>
      tpu.wait_dma2 semaphore(%run_scoped3A : memref<!tpu.dma_semaphore, #tpu.memory_space<semaphore_mem>>) src(%dma_wait3A_672 : memref<32x128xi32, #tpu.memory_space<hbm>>) dst(%arg5 : memref<32x128xi32, #tpu.memory_space<vmem>>)
      tpu.yield
    }) : () -> ()
    %dma_start3A = arith.constant 0 : i32
    %dma_start3A_3 = arith.constant 0 : i32
    %dma_start3A_4 = arith.constant 0 : i32
    %dma_start3A_5 = tpu.memref_slice %arg6[%dma_start3A_3, %dma_start3A_4] : memref<512x32xf32, #tpu.memory_space<vmem>> -> memref<128x32xf32, #tpu.memory_space<vmem>>
    %dma_start3A_6 = arith.constant 0 : i32
    %dma_start3A_7 = tpu.memref_slice %arg5[%dma_start3A, %dma_start3A_6] : memref<32x128xi32, #tpu.memory_space<vmem>> -> memref<1x128xi32, #tpu.memory_space<vmem>>
    %dma_start3A_8 = tpu.memref_squeeze %dma_start3A_7 : memref<1x128xi32, #tpu.memory_space<vmem>> -> memref<128xi32, #tpu.memory_space<vmem>>
    %dma_start3A_9 = arith.constant 0 : i32
    %dma_start3A_10 = arith.constant 0 : i32
    %dma_start3A_11 = tpu.memref_slice %arg2[%dma_start3A_9, %dma_start3A_10] : memref<131072x32xf32, #tpu.memory_space<hbm>> -> memref<131072x32xf32, #tpu.memory_space<hbm>>
    tpu.enqueue_indirect_dma source(%dma_start3A_11 : memref<131072x32xf32, #tpu.memory_space<hbm>>) target(%dma_start3A_5 : memref<128x32xf32, #tpu.memory_space<vmem>>) offsets(%dma_start3A_8 : memref<128xi32, #tpu.memory_space<vmem>>) semaphore(%arg7 : memref<!tpu.dma_semaphore, #tpu.memory_space<semaphore_mem>>)
    %dma_start3A_12 = arith.constant 1 : i32
    %dma_start3A_13 = arith.constant 128 : i32
    %dma_start3A_14 = arith.constant 0 : i32
    %dma_start3A_15 = tpu.memref_slice %arg6[%dma_start3A_13, %dma_start3A_14] : memref<512x32xf32, #tpu.memory_space<vmem>> -> memref<128x32xf32, #tpu.memory_space<vmem>>
    %dma_start3A_16 = arith.constant 0 : i32
    %dma_start3A_17 = tpu.memref_slice %arg5[%dma_start3A_12, %dma_start3A_16] : memref<32x128xi32, #tpu.memory_space<vmem>> -> memref<1x128xi32, #tpu.memory_space<vmem>>
    %dma_start3A_18 = tpu.memref_squeeze %dma_start3A_17 : memref<1x128xi32, #tpu.memory_space<vmem>> -> memref<128xi32, #tpu.memory_space<vmem>>
    %dma_start3A_19 = arith.constant 0 : i32
    %dma_start3A_20 = arith.constant 0 : i32
    %dma_start3A_21 = tpu.memref_slice %arg2[%dma_start3A_19, %dma_start3A_20] : memref<131072x32xf32, #tpu.memory_space<hbm>> -> memref<131072x32xf32, #tpu.memory_space<hbm>>
    tpu.enqueue_indirect_dma source(%dma_start3A_21 : memref<131072x32xf32, #tpu.memory_space<hbm>>) target(%dma_start3A_15 : memref<128x32xf32, #tpu.memory_space<vmem>>) offsets(%dma_start3A_18 : memref<128xi32, #tpu.memory_space<vmem>>) semaphore(%arg7 : memref<!tpu.dma_semaphore, #tpu.memory_space<semaphore_mem>>)
    %dma_start3A_22 = arith.constant 2 : i32
    %dma_start3A_23 = arith.constant 256 : i32
    %dma_start3A_24 = arith.constant 0 : i32
    %dma_start3A_25 = tpu.memref_slice %arg6[%dma_start3A_23, %dma_start3A_24] : memref<512x32xf32, #tpu.memory_space<vmem>> -> memref<128x32xf32, #tpu.memory_space<vmem>>
    %dma_start3A_26 = arith.constant 0 : i32
    %dma_start3A_27 = tpu.memref_slice %arg5[%dma_start3A_22, %dma_start3A_26] : memref<32x128xi32, #tpu.memory_space<vmem>> -> memref<1x128xi32, #tpu.memory_space<vmem>>
    %dma_start3A_28 = tpu.memref_squeeze %dma_start3A_27 : memref<1x128xi32, #tpu.memory_space<vmem>> -> memref<128xi32, #tpu.memory_space<vmem>>
    %dma_start3A_29 = arith.constant 0 : i32
    %dma_start3A_30 = arith.constant 0 : i32
    %dma_start3A_31 = tpu.memref_slice %arg2[%dma_start3A_29, %dma_start3A_30] : memref<131072x32xf32, #tpu.memory_space<hbm>> -> memref<131072x32xf32, #tpu.memory_space<hbm>>
    tpu.enqueue_indirect_dma source(%dma_start3A_31 : memref<131072x32xf32, #tpu.memory_space<hbm>>) target(%dma_start3A_25 : memref<128x32xf32, #tpu.memory_space<vmem>>) offsets(%dma_start3A_28 : memref<128xi32, #tpu.memory_space<vmem>>) semaphore(%arg7 : memref<!tpu.dma_semaphore, #tpu.memory_space<semaphore_mem>>)
    %dma_start3A_32 = arith.constant 3 : i32
    %dma_start3A_33 = arith.constant 384 : i32
    %dma_start3A_34 = arith.constant 0 : i32
    %dma_start3A_35 = tpu.memref_slice %arg6[%dma_start3A_33, %dma_start3A_34] : memref<512x32xf32, #tpu.memory_space<vmem>> -> memref<128x32xf32, #tpu.memory_space<vmem>>
    %dma_start3A_36 = arith.constant 0 : i32
    %dma_start3A_37 = tpu.memref_slice %arg5[%dma_start3A_32, %dma_start3A_36] : memref<32x128xi32, #tpu.memory_space<vmem>> -> memref<1x128xi32, #tpu.memory_space<vmem>>
    %dma_start3A_38 = tpu.memref_squeeze %dma_start3A_37 : memref<1x128xi32, #tpu.memory_space<vmem>> -> memref<128xi32, #tpu.memory_space<vmem>>
    %dma_start3A_39 = arith.constant 0 : i32
    %dma_start3A_40 = arith.constant 0 : i32
    %dma_start3A_41 = tpu.memref_slice %arg2[%dma_start3A_39, %dma_start3A_40] : memref<131072x32xf32, #tpu.memory_space<hbm>> -> memref<131072x32xf32, #tpu.memory_space<hbm>>
    tpu.enqueue_indirect_dma source(%dma_start3A_41 : memref<131072x32xf32, #tpu.memory_space<hbm>>) target(%dma_start3A_35 : memref<128x32xf32, #tpu.memory_space<vmem>>) offsets(%dma_start3A_38 : memref<128xi32, #tpu.memory_space<vmem>>) semaphore(%arg7 : memref<!tpu.dma_semaphore, #tpu.memory_space<semaphore_mem>>)
    %dma_wait3A = arith.constant 0 : i32
    %dma_wait3A_42 = arith.constant 0 : i32
    %dma_wait3A_43 = arith.constant 0 : i32
    %dma_wait3A_44 = tpu.memref_slice %arg6[%dma_wait3A_42, %dma_wait3A_43] : memref<512x32xf32, #tpu.memory_space<vmem>> -> memref<128x32xf32, #tpu.memory_space<vmem>>
    %dma_wait3A_45 = arith.constant 0 : i32
    %dma_wait3A_46 = tpu.memref_slice %arg5[%dma_wait3A, %dma_wait3A_45] : memref<32x128xi32, #tpu.memory_space<vmem>> -> memref<1x128xi32, #tpu.memory_space<vmem>>
    %dma_wait3A_47 = tpu.memref_squeeze %dma_wait3A_46 : memref<1x128xi32, #tpu.memory_space<vmem>> -> memref<128xi32, #tpu.memory_space<vmem>>
    %dma_wait3A_48 = arith.constant 0 : i32
    %dma_wait3A_49 = arith.constant 0 : i32
    %dma_wait3A_50 = tpu.memref_slice %arg2[%dma_wait3A_48, %dma_wait3A_49] : memref<131072x32xf32, #tpu.memory_space<hbm>> -> memref<131072x32xf32, #tpu.memory_space<hbm>>
    tpu.wait_indirect_dma semaphore(%arg7 : memref<!tpu.dma_semaphore, #tpu.memory_space<semaphore_mem>>) src(%dma_wait3A_50 : memref<131072x32xf32, #tpu.memory_space<hbm>>) dst(%dma_wait3A_44 : memref<128x32xf32, #tpu.memory_space<vmem>>)
    %dma_wait3A_51 = arith.constant 1 : i32
    %dma_wait3A_52 = arith.constant 128 : i32
    %dma_wait3A_53 = arith.constant 0 : i32
    %dma_wait3A_54 = tpu.memref_slice %arg6[%dma_wait3A_52, %dma_wait3A_53] : memref<512x32xf32, #tpu.memory_space<vmem>> -> memref<128x32xf32, #tpu.memory_space<vmem>>
    %dma_wait3A_55 = arith.constant 0 : i32
    %dma_wait3A_56 = tpu.memref_slice %arg5[%dma_wait3A_51, %dma_wait3A_55] : memref<32x128xi32, #tpu.memory_space<vmem>> -> memref<1x128xi32, #tpu.memory_space<vmem>>
    %dma_wait3A_57 = tpu.memref_squeeze %dma_wait3A_56 : memref<1x128xi32, #tpu.memory_space<vmem>> -> memref<128xi32, #tpu.memory_space<vmem>>
    %dma_wait3A_58 = arith.constant 0 : i32
    %dma_wait3A_59 = arith.constant 0 : i32
    %dma_wait3A_60 = tpu.memref_slice %arg2[%dma_wait3A_58, %dma_wait3A_59] : memref<131072x32xf32, #tpu.memory_space<hbm>> -> memref<131072x32xf32, #tpu.memory_space<hbm>>
    tpu.wait_indirect_dma semaphore(%arg7 : memref<!tpu.dma_semaphore, #tpu.memory_space<semaphore_mem>>) src(%dma_wait3A_60 : memref<131072x32xf32, #tpu.memory_space<hbm>>) dst(%dma_wait3A_54 : memref<128x32xf32, #tpu.memory_space<vmem>>)
    %dma_wait3A_61 = arith.constant 2 : i32
    %dma_wait3A_62 = arith.constant 256 : i32
    %dma_wait3A_63 = arith.constant 0 : i32
    %dma_wait3A_64 = tpu.memref_slice %arg6[%dma_wait3A_62, %dma_wait3A_63] : memref<512x32xf32, #tpu.memory_space<vmem>> -> memref<128x32xf32, #tpu.memory_space<vmem>>
    %dma_wait3A_65 = arith.constant 0 : i32
    %dma_wait3A_66 = tpu.memref_slice %arg5[%dma_wait3A_61, %dma_wait3A_65] : memref<32x128xi32, #tpu.memory_space<vmem>> -> memref<1x128xi32, #tpu.memory_space<vmem>>
    %dma_wait3A_67 = tpu.memref_squeeze %dma_wait3A_66 : memref<1x128xi32, #tpu.memory_space<vmem>> -> memref<128xi32, #tpu.memory_space<vmem>>
    %dma_wait3A_68 = arith.constant 0 : i32
    %dma_wait3A_69 = arith.constant 0 : i32
    %dma_wait3A_70 = tpu.memref_slice %arg2[%dma_wait3A_68, %dma_wait3A_69] : memref<131072x32xf32, #tpu.memory_space<hbm>> -> memref<131072x32xf32, #tpu.memory_space<hbm>>
    tpu.wait_indirect_dma semaphore(%arg7 : memref<!tpu.dma_semaphore, #tpu.memory_space<semaphore_mem>>) src(%dma_wait3A_70 : memref<131072x32xf32, #tpu.memory_space<hbm>>) dst(%dma_wait3A_64 : memref<128x32xf32, #tpu.memory_space<vmem>>)
    %dma_wait3A_71 = arith.constant 3 : i32
    %dma_wait3A_72 = arith.constant 384 : i32
    %dma_wait3A_73 = arith.constant 0 : i32
    %dma_wait3A_74 = tpu.memref_slice %arg6[%dma_wait3A_72, %dma_wait3A_73] : memref<512x32xf32, #tpu.memory_space<vmem>> -> memref<128x32xf32, #tpu.memory_space<vmem>>
    %dma_wait3A_75 = arith.constant 0 : i32
    %dma_wait3A_76 = tpu.memref_slice %arg5[%dma_wait3A_71, %dma_wait3A_75] : memref<32x128xi32, #tpu.memory_space<vmem>> -> memref<1x128xi32, #tpu.memory_space<vmem>>
    %dma_wait3A_77 = tpu.memref_squeeze %dma_wait3A_76 : memref<1x128xi32, #tpu.memory_space<vmem>> -> memref<128xi32, #tpu.memory_space<vmem>>
    %dma_wait3A_78 = arith.constant 0 : i32
    %dma_wait3A_79 = arith.constant 0 : i32
    %dma_wait3A_80 = tpu.memref_slice %arg2[%dma_wait3A_78, %dma_wait3A_79] : memref<131072x32xf32, #tpu.memory_space<hbm>> -> memref<131072x32xf32, #tpu.memory_space<hbm>>
    tpu.wait_indirect_dma semaphore(%arg7 : memref<!tpu.dma_semaphore, #tpu.memory_space<semaphore_mem>>) src(%dma_wait3A_80 : memref<131072x32xf32, #tpu.memory_space<hbm>>) dst(%dma_wait3A_74 : memref<128x32xf32, #tpu.memory_space<vmem>>)
    %add3A_81 = arith.constant 0 : i32
    %add3A_82 = arith.addi %mul3A_2, %add3A_81 : i32
    "tpu.region"() ({
      %run_scoped3A = tpu.sem_alloc : memref<!tpu.dma_semaphore, #tpu.memory_space<semaphore_mem>>
      %dma_start3A_657 = arith.constant 0 : i32
      %dma_start3A_658 = tpu.memref_slice %arg4[%add3A_82, %dma_start3A_657] : memref<131072x32xf32, #tpu.memory_space<hbm>> -> memref<512x32xf32, #tpu.memory_space<hbm>>
      %dma_start3A_659 = arith.constant 0 : i32
      %dma_start3A_660 = tpu.memref_slice %arg4[%add3A_82, %dma_start3A_659] : memref<131072x32xf32, #tpu.memory_space<hbm>> -> memref<512x32xf32, #tpu.memory_space<hbm>>
      tpu.enqueue_dma source(%arg6 : memref<512x32xf32, #tpu.memory_space<vmem>>) target(%dma_start3A_660 : memref<512x32xf32, #tpu.memory_space<hbm>>) target_semaphore(%run_scoped3A : memref<!tpu.dma_semaphore, #tpu.memory_space<semaphore_mem>>)
      %dma_wait3A_661 = arith.constant 0 : i32
      %dma_wait3A_662 = tpu.memref_slice %arg4[%add3A_82, %dma_wait3A_661] : memref<131072x32xf32, #tpu.memory_space<hbm>> -> memref<512x32xf32, #tpu.memory_space<hbm>>
      %dma_wait3A_663 = arith.constant 0 : i32
      %dma_wait3A_664 = tpu.memref_slice %arg4[%add3A_82, %dma_wait3A_663] : memref<131072x32xf32, #tpu.memory_space<hbm>> -> memref<512x32xf32, #tpu.memory_space<hbm>>
      tpu.wait_dma2 semaphore(%run_scoped3A : memref<!tpu.dma_semaphore, #tpu.memory_space<semaphore_mem>>) src(%arg6 : memref<512x32xf32, #tpu.memory_space<vmem>>) dst(%dma_wait3A_664 : memref<512x32xf32, #tpu.memory_space<hbm>>)
      tpu.yield
    }) : () -> ()
    %dma_start3A_83 = arith.constant 4 : i32
    %dma_start3A_84 = arith.constant 0 : i32
    %dma_start3A_85 = arith.constant 0 : i32
    %dma_start3A_86 = tpu.memref_slice %arg6[%dma_start3A_84, %dma_start3A_85] : memref<512x32xf32, #tpu.memory_space<vmem>> -> memref<128x32xf32, #tpu.memory_space<vmem>>
    %dma_start3A_87 = arith.constant 0 : i32
    %dma_start3A_88 = tpu.memref_slice %arg5[%dma_start3A_83, %dma_start3A_87] : memref<32x128xi32, #tpu.memory_space<vmem>> -> memref<1x128xi32, #tpu.memory_space<vmem>>
    %dma_start3A_89 = tpu.memref_squeeze %dma_start3A_88 : memref<1x128xi32, #tpu.memory_space<vmem>> -> memref<128xi32, #tpu.memory_space<vmem>>
    %dma_start3A_90 = arith.constant 0 : i32
    %dma_start3A_91 = arith.constant 0 : i32
    %dma_start3A_92 = tpu.memref_slice %arg2[%dma_start3A_90, %dma_start3A_91] : memref<131072x32xf32, #tpu.memory_space<hbm>> -> memref<131072x32xf32, #tpu.memory_space<hbm>>
    tpu.enqueue_indirect_dma source(%dma_start3A_92 : memref<131072x32xf32, #tpu.memory_space<hbm>>) target(%dma_start3A_86 : memref<128x32xf32, #tpu.memory_space<vmem>>) offsets(%dma_start3A_89 : memref<128xi32, #tpu.memory_space<vmem>>) semaphore(%arg7 : memref<!tpu.dma_semaphore, #tpu.memory_space<semaphore_mem>>)
    %dma_start3A_93 = arith.constant 5 : i32
    %dma_start3A_94 = arith.constant 128 : i32
    %dma_start3A_95 = arith.constant 0 : i32
    %dma_start3A_96 = tpu.memref_slice %arg6[%dma_start3A_94, %dma_start3A_95] : memref<512x32xf32, #tpu.memory_space<vmem>> -> memref<128x32xf32, #tpu.memory_space<vmem>>
    %dma_start3A_97 = arith.constant 0 : i32
    %dma_start3A_98 = tpu.memref_slice %arg5[%dma_start3A_93, %dma_start3A_97] : memref<32x128xi32, #tpu.memory_space<vmem>> -> memref<1x128xi32, #tpu.memory_space<vmem>>
    %dma_start3A_99 = tpu.memref_squeeze %dma_start3A_98 : memref<1x128xi32, #tpu.memory_space<vmem>> -> memref<128xi32, #tpu.memory_space<vmem>>
    %dma_start3A_100 = arith.constant 0 : i32
    %dma_start3A_101 = arith.constant 0 : i32
    %dma_start3A_102 = tpu.memref_slice %arg2[%dma_start3A_100, %dma_start3A_101] : memref<131072x32xf32, #tpu.memory_space<hbm>> -> memref<131072x32xf32, #tpu.memory_space<hbm>>
    tpu.enqueue_indirect_dma source(%dma_start3A_102 : memref<131072x32xf32, #tpu.memory_space<hbm>>) target(%dma_start3A_96 : memref<128x32xf32, #tpu.memory_space<vmem>>) offsets(%dma_start3A_99 : memref<128xi32, #tpu.memory_space<vmem>>) semaphore(%arg7 : memref<!tpu.dma_semaphore, #tpu.memory_space<semaphore_mem>>)
    %dma_start3A_103 = arith.constant 6 : i32
    %dma_start3A_104 = arith.constant 256 : i32
    %dma_start3A_105 = arith.constant 0 : i32
    %dma_start3A_106 = tpu.memref_slice %arg6[%dma_start3A_104, %dma_start3A_105] : memref<512x32xf32, #tpu.memory_space<vmem>> -> memref<128x32xf32, #tpu.memory_space<vmem>>
    %dma_start3A_107 = arith.constant 0 : i32
    %dma_start3A_108 = tpu.memref_slice %arg5[%dma_start3A_103, %dma_start3A_107] : memref<32x128xi32, #tpu.memory_space<vmem>> -> memref<1x128xi32, #tpu.memory_space<vmem>>
    %dma_start3A_109 = tpu.memref_squeeze %dma_start3A_108 : memref<1x128xi32, #tpu.memory_space<vmem>> -> memref<128xi32, #tpu.memory_space<vmem>>
    %dma_start3A_110 = arith.constant 0 : i32
    %dma_start3A_111 = arith.constant 0 : i32
    %dma_start3A_112 = tpu.memref_slice %arg2[%dma_start3A_110, %dma_start3A_111] : memref<131072x32xf32, #tpu.memory_space<hbm>> -> memref<131072x32xf32, #tpu.memory_space<hbm>>
    tpu.enqueue_indirect_dma source(%dma_start3A_112 : memref<131072x32xf32, #tpu.memory_space<hbm>>) target(%dma_start3A_106 : memref<128x32xf32, #tpu.memory_space<vmem>>) offsets(%dma_start3A_109 : memref<128xi32, #tpu.memory_space<vmem>>) semaphore(%arg7 : memref<!tpu.dma_semaphore, #tpu.memory_space<semaphore_mem>>)
    %dma_start3A_113 = arith.constant 7 : i32
    %dma_start3A_114 = arith.constant 384 : i32
    %dma_start3A_115 = arith.constant 0 : i32
    %dma_start3A_116 = tpu.memref_slice %arg6[%dma_start3A_114, %dma_start3A_115] : memref<512x32xf32, #tpu.memory_space<vmem>> -> memref<128x32xf32, #tpu.memory_space<vmem>>
    %dma_start3A_117 = arith.constant 0 : i32
    %dma_start3A_118 = tpu.memref_slice %arg5[%dma_start3A_113, %dma_start3A_117] : memref<32x128xi32, #tpu.memory_space<vmem>> -> memref<1x128xi32, #tpu.memory_space<vmem>>
    %dma_start3A_119 = tpu.memref_squeeze %dma_start3A_118 : memref<1x128xi32, #tpu.memory_space<vmem>> -> memref<128xi32, #tpu.memory_space<vmem>>
    %dma_start3A_120 = arith.constant 0 : i32
    %dma_start3A_121 = arith.constant 0 : i32
    %dma_start3A_122 = tpu.memref_slice %arg2[%dma_start3A_120, %dma_start3A_121] : memref<131072x32xf32, #tpu.memory_space<hbm>> -> memref<131072x32xf32, #tpu.memory_space<hbm>>
    tpu.enqueue_indirect_dma source(%dma_start3A_122 : memref<131072x32xf32, #tpu.memory_space<hbm>>) target(%dma_start3A_116 : memref<128x32xf32, #tpu.memory_space<vmem>>) offsets(%dma_start3A_119 : memref<128xi32, #tpu.memory_space<vmem>>) semaphore(%arg7 : memref<!tpu.dma_semaphore, #tpu.memory_space<semaphore_mem>>)
    %dma_wait3A_123 = arith.constant 4 : i32
    %dma_wait3A_124 = arith.constant 0 : i32
    %dma_wait3A_125 = arith.constant 0 : i32
    %dma_wait3A_126 = tpu.memref_slice %arg6[%dma_wait3A_124, %dma_wait3A_125] : memref<512x32xf32, #tpu.memory_space<vmem>> -> memref<128x32xf32, #tpu.memory_space<vmem>>
    %dma_wait3A_127 = arith.constant 0 : i32
    %dma_wait3A_128 = tpu.memref_slice %arg5[%dma_wait3A_123, %dma_wait3A_127] : memref<32x128xi32, #tpu.memory_space<vmem>> -> memref<1x128xi32, #tpu.memory_space<vmem>>
    %dma_wait3A_129 = tpu.memref_squeeze %dma_wait3A_128 : memref<1x128xi32, #tpu.memory_space<vmem>> -> memref<128xi32, #tpu.memory_space<vmem>>
    %dma_wait3A_130 = arith.constant 0 : i32
    %dma_wait3A_131 = arith.constant 0 : i32
    %dma_wait3A_132 = tpu.memref_slice %arg2[%dma_wait3A_130, %dma_wait3A_131] : memref<131072x32xf32, #tpu.memory_space<hbm>> -> memref<131072x32xf32, #tpu.memory_space<hbm>>
    tpu.wait_indirect_dma semaphore(%arg7 : memref<!tpu.dma_semaphore, #tpu.memory_space<semaphore_mem>>) src(%dma_wait3A_132 : memref<131072x32xf32, #tpu.memory_space<hbm>>) dst(%dma_wait3A_126 : memref<128x32xf32, #tpu.memory_space<vmem>>)
    %dma_wait3A_133 = arith.constant 5 : i32
    %dma_wait3A_134 = arith.constant 128 : i32
    %dma_wait3A_135 = arith.constant 0 : i32
    %dma_wait3A_136 = tpu.memref_slice %arg6[%dma_wait3A_134, %dma_wait3A_135] : memref<512x32xf32, #tpu.memory_space<vmem>> -> memref<128x32xf32, #tpu.memory_space<vmem>>
    %dma_wait3A_137 = arith.constant 0 : i32
    %dma_wait3A_138 = tpu.memref_slice %arg5[%dma_wait3A_133, %dma_wait3A_137] : memref<32x128xi32, #tpu.memory_space<vmem>> -> memref<1x128xi32, #tpu.memory_space<vmem>>
    %dma_wait3A_139 = tpu.memref_squeeze %dma_wait3A_138 : memref<1x128xi32, #tpu.memory_space<vmem>> -> memref<128xi32, #tpu.memory_space<vmem>>
    %dma_wait3A_140 = arith.constant 0 : i32
    %dma_wait3A_141 = arith.constant 0 : i32
    %dma_wait3A_142 = tpu.memref_slice %arg2[%dma_wait3A_140, %dma_wait3A_141] : memref<131072x32xf32, #tpu.memory_space<hbm>> -> memref<131072x32xf32, #tpu.memory_space<hbm>>
    tpu.wait_indirect_dma semaphore(%arg7 : memref<!tpu.dma_semaphore, #tpu.memory_space<semaphore_mem>>) src(%dma_wait3A_142 : memref<131072x32xf32, #tpu.memory_space<hbm>>) dst(%dma_wait3A_136 : memref<128x32xf32, #tpu.memory_space<vmem>>)
    %dma_wait3A_143 = arith.constant 6 : i32
    %dma_wait3A_144 = arith.constant 256 : i32
    %dma_wait3A_145 = arith.constant 0 : i32
    %dma_wait3A_146 = tpu.memref_slice %arg6[%dma_wait3A_144, %dma_wait3A_145] : memref<512x32xf32, #tpu.memory_space<vmem>> -> memref<128x32xf32, #tpu.memory_space<vmem>>
    %dma_wait3A_147 = arith.constant 0 : i32
    %dma_wait3A_148 = tpu.memref_slice %arg5[%dma_wait3A_143, %dma_wait3A_147] : memref<32x128xi32, #tpu.memory_space<vmem>> -> memref<1x128xi32, #tpu.memory_space<vmem>>
    %dma_wait3A_149 = tpu.memref_squeeze %dma_wait3A_148 : memref<1x128xi32, #tpu.memory_space<vmem>> -> memref<128xi32, #tpu.memory_space<vmem>>
    %dma_wait3A_150 = arith.constant 0 : i32
    %dma_wait3A_151 = arith.constant 0 : i32
    %dma_wait3A_152 = tpu.memref_slice %arg2[%dma_wait3A_150, %dma_wait3A_151] : memref<131072x32xf32, #tpu.memory_space<hbm>> -> memref<131072x32xf32, #tpu.memory_space<hbm>>
    tpu.wait_indirect_dma semaphore(%arg7 : memref<!tpu.dma_semaphore, #tpu.memory_space<semaphore_mem>>) src(%dma_wait3A_152 : memref<131072x32xf32, #tpu.memory_space<hbm>>) dst(%dma_wait3A_146 : memref<128x32xf32, #tpu.memory_space<vmem>>)
    %dma_wait3A_153 = arith.constant 7 : i32
    %dma_wait3A_154 = arith.constant 384 : i32
    %dma_wait3A_155 = arith.constant 0 : i32
    %dma_wait3A_156 = tpu.memref_slice %arg6[%dma_wait3A_154, %dma_wait3A_155] : memref<512x32xf32, #tpu.memory_space<vmem>> -> memref<128x32xf32, #tpu.memory_space<vmem>>
    %dma_wait3A_157 = arith.constant 0 : i32
    %dma_wait3A_158 = tpu.memref_slice %arg5[%dma_wait3A_153, %dma_wait3A_157] : memref<32x128xi32, #tpu.memory_space<vmem>> -> memref<1x128xi32, #tpu.memory_space<vmem>>
    %dma_wait3A_159 = tpu.memref_squeeze %dma_wait3A_158 : memref<1x128xi32, #tpu.memory_space<vmem>> -> memref<128xi32, #tpu.memory_space<vmem>>
    %dma_wait3A_160 = arith.constant 0 : i32
    %dma_wait3A_161 = arith.constant 0 : i32
    %dma_wait3A_162 = tpu.memref_slice %arg2[%dma_wait3A_160, %dma_wait3A_161] : memref<131072x32xf32, #tpu.memory_space<hbm>> -> memref<131072x32xf32, #tpu.memory_space<hbm>>
    tpu.wait_indirect_dma semaphore(%arg7 : memref<!tpu.dma_semaphore, #tpu.memory_space<semaphore_mem>>) src(%dma_wait3A_162 : memref<131072x32xf32, #tpu.memory_space<hbm>>) dst(%dma_wait3A_156 : memref<128x32xf32, #tpu.memory_space<vmem>>)
    %add3A_163 = arith.constant 512 : i32
    %add3A_164 = arith.addi %mul3A_2, %add3A_163 : i32
    "tpu.region"() ({
      %run_scoped3A = tpu.sem_alloc : memref<!tpu.dma_semaphore, #tpu.memory_space<semaphore_mem>>
      %dma_start3A_657 = arith.constant 0 : i32
      %dma_start3A_658 = tpu.memref_slice %arg4[%add3A_164, %dma_start3A_657] : memref<131072x32xf32, #tpu.memory_space<hbm>> -> memref<512x32xf32, #tpu.memory_space<hbm>>
      %dma_start3A_659 = arith.constant 0 : i32
      %dma_start3A_660 = tpu.memref_slice %arg4[%add3A_164, %dma_start3A_659] : memref<131072x32xf32, #tpu.memory_space<hbm>> -> memref<512x32xf32, #tpu.memory_space<hbm>>
      tpu.enqueue_dma source(%arg6 : memref<512x32xf32, #tpu.memory_space<vmem>>) target(%dma_start3A_660 : memref<512x32xf32, #tpu.memory_space<hbm>>) target_semaphore(%run_scoped3A : memref<!tpu.dma_semaphore, #tpu.memory_space<semaphore_mem>>)
      %dma_wait3A_661 = arith.constant 0 : i32
      %dma_wait3A_662 = tpu.memref_slice %arg4[%add3A_164, %dma_wait3A_661] : memref<131072x32xf32, #tpu.memory_space<hbm>> -> memref<512x32xf32, #tpu.memory_space<hbm>>
      %dma_wait3A_663 = arith.constant 0 : i32
      %dma_wait3A_664 = tpu.memref_slice %arg4[%add3A_164, %dma_wait3A_663] : memref<131072x32xf32, #tpu.memory_space<hbm>> -> memref<512x32xf32, #tpu.memory_space<hbm>>
      tpu.wait_dma2 semaphore(%run_scoped3A : memref<!tpu.dma_semaphore, #tpu.memory_space<semaphore_mem>>) src(%arg6 : memref<512x32xf32, #tpu.memory_space<vmem>>) dst(%dma_wait3A_664 : memref<512x32xf32, #tpu.memory_space<hbm>>)
      tpu.yield
    }) : () -> ()
    %dma_start3A_165 = arith.constant 8 : i32
    %dma_start3A_166 = arith.constant 0 : i32
    %dma_start3A_167 = arith.constant 0 : i32
    %dma_start3A_168 = tpu.memref_slice %arg6[%dma_start3A_166, %dma_start3A_167] : memref<512x32xf32, #tpu.memory_space<vmem>> -> memref<128x32xf32, #tpu.memory_space<vmem>>
    %dma_start3A_169 = arith.constant 0 : i32
    %dma_start3A_170 = tpu.memref_slice %arg5[%dma_start3A_165, %dma_start3A_169] : memref<32x128xi32, #tpu.memory_space<vmem>> -> memref<1x128xi32, #tpu.memory_space<vmem>>
    %dma_start3A_171 = tpu.memref_squeeze %dma_start3A_170 : memref<1x128xi32, #tpu.memory_space<vmem>> -> memref<128xi32, #tpu.memory_space<vmem>>
    %dma_start3A_172 = arith.constant 0 : i32
    %dma_start3A_173 = arith.constant 0 : i32
    %dma_start3A_174 = tpu.memref_slice %arg2[%dma_start3A_172, %dma_start3A_173] : memref<131072x32xf32, #tpu.memory_space<hbm>> -> memref<131072x32xf32, #tpu.memory_space<hbm>>
    tpu.enqueue_indirect_dma source(%dma_start3A_174 : memref<131072x32xf32, #tpu.memory_space<hbm>>) target(%dma_start3A_168 : memref<128x32xf32, #tpu.memory_space<vmem>>) offsets(%dma_start3A_171 : memref<128xi32, #tpu.memory_space<vmem>>) semaphore(%arg7 : memref<!tpu.dma_semaphore, #tpu.memory_space<semaphore_mem>>)
    %dma_start3A_175 = arith.constant 9 : i32
    %dma_start3A_176 = arith.constant 128 : i32
    %dma_start3A_177 = arith.constant 0 : i32
    %dma_start3A_178 = tpu.memref_slice %arg6[%dma_start3A_176, %dma_start3A_177] : memref<512x32xf32, #tpu.memory_space<vmem>> -> memref<128x32xf32, #tpu.memory_space<vmem>>
    %dma_start3A_179 = arith.constant 0 : i32
    %dma_start3A_180 = tpu.memref_slice %arg5[%dma_start3A_175, %dma_start3A_179] : memref<32x128xi32, #tpu.memory_space<vmem>> -> memref<1x128xi32, #tpu.memory_space<vmem>>
    %dma_start3A_181 = tpu.memref_squeeze %dma_start3A_180 : memref<1x128xi32, #tpu.memory_space<vmem>> -> memref<128xi32, #tpu.memory_space<vmem>>
    %dma_start3A_182 = arith.constant 0 : i32
    %dma_start3A_183 = arith.constant 0 : i32
    %dma_start3A_184 = tpu.memref_slice %arg2[%dma_start3A_182, %dma_start3A_183] : memref<131072x32xf32, #tpu.memory_space<hbm>> -> memref<131072x32xf32, #tpu.memory_space<hbm>>
    tpu.enqueue_indirect_dma source(%dma_start3A_184 : memref<131072x32xf32, #tpu.memory_space<hbm>>) target(%dma_start3A_178 : memref<128x32xf32, #tpu.memory_space<vmem>>) offsets(%dma_start3A_181 : memref<128xi32, #tpu.memory_space<vmem>>) semaphore(%arg7 : memref<!tpu.dma_semaphore, #tpu.memory_space<semaphore_mem>>)
    %dma_start3A_185 = arith.constant 10 : i32
    %dma_start3A_186 = arith.constant 256 : i32
    %dma_start3A_187 = arith.constant 0 : i32
    %dma_start3A_188 = tpu.memref_slice %arg6[%dma_start3A_186, %dma_start3A_187] : memref<512x32xf32, #tpu.memory_space<vmem>> -> memref<128x32xf32, #tpu.memory_space<vmem>>
    %dma_start3A_189 = arith.constant 0 : i32
    %dma_start3A_190 = tpu.memref_slice %arg5[%dma_start3A_185, %dma_start3A_189] : memref<32x128xi32, #tpu.memory_space<vmem>> -> memref<1x128xi32, #tpu.memory_space<vmem>>
    %dma_start3A_191 = tpu.memref_squeeze %dma_start3A_190 : memref<1x128xi32, #tpu.memory_space<vmem>> -> memref<128xi32, #tpu.memory_space<vmem>>
    %dma_start3A_192 = arith.constant 0 : i32
    %dma_start3A_193 = arith.constant 0 : i32
    %dma_start3A_194 = tpu.memref_slice %arg2[%dma_start3A_192, %dma_start3A_193] : memref<131072x32xf32, #tpu.memory_space<hbm>> -> memref<131072x32xf32, #tpu.memory_space<hbm>>
    tpu.enqueue_indirect_dma source(%dma_start3A_194 : memref<131072x32xf32, #tpu.memory_space<hbm>>) target(%dma_start3A_188 : memref<128x32xf32, #tpu.memory_space<vmem>>) offsets(%dma_start3A_191 : memref<128xi32, #tpu.memory_space<vmem>>) semaphore(%arg7 : memref<!tpu.dma_semaphore, #tpu.memory_space<semaphore_mem>>)
    %dma_start3A_195 = arith.constant 11 : i32
    %dma_start3A_196 = arith.constant 384 : i32
    %dma_start3A_197 = arith.constant 0 : i32
    %dma_start3A_198 = tpu.memref_slice %arg6[%dma_start3A_196, %dma_start3A_197] : memref<512x32xf32, #tpu.memory_space<vmem>> -> memref<128x32xf32, #tpu.memory_space<vmem>>
    %dma_start3A_199 = arith.constant 0 : i32
    %dma_start3A_200 = tpu.memref_slice %arg5[%dma_start3A_195, %dma_start3A_199] : memref<32x128xi32, #tpu.memory_space<vmem>> -> memref<1x128xi32, #tpu.memory_space<vmem>>
    %dma_start3A_201 = tpu.memref_squeeze %dma_start3A_200 : memref<1x128xi32, #tpu.memory_space<vmem>> -> memref<128xi32, #tpu.memory_space<vmem>>
    %dma_start3A_202 = arith.constant 0 : i32
    %dma_start3A_203 = arith.constant 0 : i32
    %dma_start3A_204 = tpu.memref_slice %arg2[%dma_start3A_202, %dma_start3A_203] : memref<131072x32xf32, #tpu.memory_space<hbm>> -> memref<131072x32xf32, #tpu.memory_space<hbm>>
    tpu.enqueue_indirect_dma source(%dma_start3A_204 : memref<131072x32xf32, #tpu.memory_space<hbm>>) target(%dma_start3A_198 : memref<128x32xf32, #tpu.memory_space<vmem>>) offsets(%dma_start3A_201 : memref<128xi32, #tpu.memory_space<vmem>>) semaphore(%arg7 : memref<!tpu.dma_semaphore, #tpu.memory_space<semaphore_mem>>)
    %dma_wait3A_205 = arith.constant 8 : i32
    %dma_wait3A_206 = arith.constant 0 : i32
    %dma_wait3A_207 = arith.constant 0 : i32
    %dma_wait3A_208 = tpu.memref_slice %arg6[%dma_wait3A_206, %dma_wait3A_207] : memref<512x32xf32, #tpu.memory_space<vmem>> -> memref<128x32xf32, #tpu.memory_space<vmem>>
    %dma_wait3A_209 = arith.constant 0 : i32
    %dma_wait3A_210 = tpu.memref_slice %arg5[%dma_wait3A_205, %dma_wait3A_209] : memref<32x128xi32, #tpu.memory_space<vmem>> -> memref<1x128xi32, #tpu.memory_space<vmem>>
    %dma_wait3A_211 = tpu.memref_squeeze %dma_wait3A_210 : memref<1x128xi32, #tpu.memory_space<vmem>> -> memref<128xi32, #tpu.memory_space<vmem>>
    %dma_wait3A_212 = arith.constant 0 : i32
    %dma_wait3A_213 = arith.constant 0 : i32
    %dma_wait3A_214 = tpu.memref_slice %arg2[%dma_wait3A_212, %dma_wait3A_213] : memref<131072x32xf32, #tpu.memory_space<hbm>> -> memref<131072x32xf32, #tpu.memory_space<hbm>>
    tpu.wait_indirect_dma semaphore(%arg7 : memref<!tpu.dma_semaphore, #tpu.memory_space<semaphore_mem>>) src(%dma_wait3A_214 : memref<131072x32xf32, #tpu.memory_space<hbm>>) dst(%dma_wait3A_208 : memref<128x32xf32, #tpu.memory_space<vmem>>)
    %dma_wait3A_215 = arith.constant 9 : i32
    %dma_wait3A_216 = arith.constant 128 : i32
    %dma_wait3A_217 = arith.constant 0 : i32
    %dma_wait3A_218 = tpu.memref_slice %arg6[%dma_wait3A_216, %dma_wait3A_217] : memref<512x32xf32, #tpu.memory_space<vmem>> -> memref<128x32xf32, #tpu.memory_space<vmem>>
    %dma_wait3A_219 = arith.constant 0 : i32
    %dma_wait3A_220 = tpu.memref_slice %arg5[%dma_wait3A_215, %dma_wait3A_219] : memref<32x128xi32, #tpu.memory_space<vmem>> -> memref<1x128xi32, #tpu.memory_space<vmem>>
    %dma_wait3A_221 = tpu.memref_squeeze %dma_wait3A_220 : memref<1x128xi32, #tpu.memory_space<vmem>> -> memref<128xi32, #tpu.memory_space<vmem>>
    %dma_wait3A_222 = arith.constant 0 : i32
    %dma_wait3A_223 = arith.constant 0 : i32
    %dma_wait3A_224 = tpu.memref_slice %arg2[%dma_wait3A_222, %dma_wait3A_223] : memref<131072x32xf32, #tpu.memory_space<hbm>> -> memref<131072x32xf32, #tpu.memory_space<hbm>>
    tpu.wait_indirect_dma semaphore(%arg7 : memref<!tpu.dma_semaphore, #tpu.memory_space<semaphore_mem>>) src(%dma_wait3A_224 : memref<131072x32xf32, #tpu.memory_space<hbm>>) dst(%dma_wait3A_218 : memref<128x32xf32, #tpu.memory_space<vmem>>)
    %dma_wait3A_225 = arith.constant 10 : i32
    %dma_wait3A_226 = arith.constant 256 : i32
    %dma_wait3A_227 = arith.constant 0 : i32
    %dma_wait3A_228 = tpu.memref_slice %arg6[%dma_wait3A_226, %dma_wait3A_227] : memref<512x32xf32, #tpu.memory_space<vmem>> -> memref<128x32xf32, #tpu.memory_space<vmem>>
    %dma_wait3A_229 = arith.constant 0 : i32
    %dma_wait3A_230 = tpu.memref_slice %arg5[%dma_wait3A_225, %dma_wait3A_229] : memref<32x128xi32, #tpu.memory_space<vmem>> -> memref<1x128xi32, #tpu.memory_space<vmem>>
    %dma_wait3A_231 = tpu.memref_squeeze %dma_wait3A_230 : memref<1x128xi32, #tpu.memory_space<vmem>> -> memref<128xi32, #tpu.memory_space<vmem>>
    %dma_wait3A_232 = arith.constant 0 : i32
    %dma_wait3A_233 = arith.constant 0 : i32
    %dma_wait3A_234 = tpu.memref_slice %arg2[%dma_wait3A_232, %dma_wait3A_233] : memref<131072x32xf32, #tpu.memory_space<hbm>> -> memref<131072x32xf32, #tpu.memory_space<hbm>>
    tpu.wait_indirect_dma semaphore(%arg7 : memref<!tpu.dma_semaphore, #tpu.memory_space<semaphore_mem>>) src(%dma_wait3A_234 : memref<131072x32xf32, #tpu.memory_space<hbm>>) dst(%dma_wait3A_228 : memref<128x32xf32, #tpu.memory_space<vmem>>)
    %dma_wait3A_235 = arith.constant 11 : i32
    %dma_wait3A_236 = arith.constant 384 : i32
    %dma_wait3A_237 = arith.constant 0 : i32
    %dma_wait3A_238 = tpu.memref_slice %arg6[%dma_wait3A_236, %dma_wait3A_237] : memref<512x32xf32, #tpu.memory_space<vmem>> -> memref<128x32xf32, #tpu.memory_space<vmem>>
    %dma_wait3A_239 = arith.constant 0 : i32
    %dma_wait3A_240 = tpu.memref_slice %arg5[%dma_wait3A_235, %dma_wait3A_239] : memref<32x128xi32, #tpu.memory_space<vmem>> -> memref<1x128xi32, #tpu.memory_space<vmem>>
    %dma_wait3A_241 = tpu.memref_squeeze %dma_wait3A_240 : memref<1x128xi32, #tpu.memory_space<vmem>> -> memref<128xi32, #tpu.memory_space<vmem>>
    %dma_wait3A_242 = arith.constant 0 : i32
    %dma_wait3A_243 = arith.constant 0 : i32
    %dma_wait3A_244 = tpu.memref_slice %arg2[%dma_wait3A_242, %dma_wait3A_243] : memref<131072x32xf32, #tpu.memory_space<hbm>> -> memref<131072x32xf32, #tpu.memory_space<hbm>>
    tpu.wait_indirect_dma semaphore(%arg7 : memref<!tpu.dma_semaphore, #tpu.memory_space<semaphore_mem>>) src(%dma_wait3A_244 : memref<131072x32xf32, #tpu.memory_space<hbm>>) dst(%dma_wait3A_238 : memref<128x32xf32, #tpu.memory_space<vmem>>)
    %add3A_245 = arith.constant 1024 : i32
    %add3A_246 = arith.addi %mul3A_2, %add3A_245 : i32
    "tpu.region"() ({
      %run_scoped3A = tpu.sem_alloc : memref<!tpu.dma_semaphore, #tpu.memory_space<semaphore_mem>>
      %dma_start3A_657 = arith.constant 0 : i32
      %dma_start3A_658 = tpu.memref_slice %arg4[%add3A_246, %dma_start3A_657] : memref<131072x32xf32, #tpu.memory_space<hbm>> -> memref<512x32xf32, #tpu.memory_space<hbm>>
      %dma_start3A_659 = arith.constant 0 : i32
      %dma_start3A_660 = tpu.memref_slice %arg4[%add3A_246, %dma_start3A_659] : memref<131072x32xf32, #tpu.memory_space<hbm>> -> memref<512x32xf32, #tpu.memory_space<hbm>>
      tpu.enqueue_dma source(%arg6 : memref<512x32xf32, #tpu.memory_space<vmem>>) target(%dma_start3A_660 : memref<512x32xf32, #tpu.memory_space<hbm>>) target_semaphore(%run_scoped3A : memref<!tpu.dma_semaphore, #tpu.memory_space<semaphore_mem>>)
      %dma_wait3A_661 = arith.constant 0 : i32
      %dma_wait3A_662 = tpu.memref_slice %arg4[%add3A_246, %dma_wait3A_661] : memref<131072x32xf32, #tpu.memory_space<hbm>> -> memref<512x32xf32, #tpu.memory_space<hbm>>
      %dma_wait3A_663 = arith.constant 0 : i32
      %dma_wait3A_664 = tpu.memref_slice %arg4[%add3A_246, %dma_wait3A_663] : memref<131072x32xf32, #tpu.memory_space<hbm>> -> memref<512x32xf32, #tpu.memory_space<hbm>>
      tpu.wait_dma2 semaphore(%run_scoped3A : memref<!tpu.dma_semaphore, #tpu.memory_space<semaphore_mem>>) src(%arg6 : memref<512x32xf32, #tpu.memory_space<vmem>>) dst(%dma_wait3A_664 : memref<512x32xf32, #tpu.memory_space<hbm>>)
      tpu.yield
    }) : () -> ()
    %dma_start3A_247 = arith.constant 12 : i32
    %dma_start3A_248 = arith.constant 0 : i32
    %dma_start3A_249 = arith.constant 0 : i32
    %dma_start3A_250 = tpu.memref_slice %arg6[%dma_start3A_248, %dma_start3A_249] : memref<512x32xf32, #tpu.memory_space<vmem>> -> memref<128x32xf32, #tpu.memory_space<vmem>>
    %dma_start3A_251 = arith.constant 0 : i32
    %dma_start3A_252 = tpu.memref_slice %arg5[%dma_start3A_247, %dma_start3A_251] : memref<32x128xi32, #tpu.memory_space<vmem>> -> memref<1x128xi32, #tpu.memory_space<vmem>>
    %dma_start3A_253 = tpu.memref_squeeze %dma_start3A_252 : memref<1x128xi32, #tpu.memory_space<vmem>> -> memref<128xi32, #tpu.memory_space<vmem>>
    %dma_start3A_254 = arith.constant 0 : i32
    %dma_start3A_255 = arith.constant 0 : i32
    %dma_start3A_256 = tpu.memref_slice %arg2[%dma_start3A_254, %dma_start3A_255] : memref<131072x32xf32, #tpu.memory_space<hbm>> -> memref<131072x32xf32, #tpu.memory_space<hbm>>
    tpu.enqueue_indirect_dma source(%dma_start3A_256 : memref<131072x32xf32, #tpu.memory_space<hbm>>) target(%dma_start3A_250 : memref<128x32xf32, #tpu.memory_space<vmem>>) offsets(%dma_start3A_253 : memref<128xi32, #tpu.memory_space<vmem>>) semaphore(%arg7 : memref<!tpu.dma_semaphore, #tpu.memory_space<semaphore_mem>>)
    %dma_start3A_257 = arith.constant 13 : i32
    %dma_start3A_258 = arith.constant 128 : i32
    %dma_start3A_259 = arith.constant 0 : i32
    %dma_start3A_260 = tpu.memref_slice %arg6[%dma_start3A_258, %dma_start3A_259] : memref<512x32xf32, #tpu.memory_space<vmem>> -> memref<128x32xf32, #tpu.memory_space<vmem>>
    %dma_start3A_261 = arith.constant 0 : i32
    %dma_start3A_262 = tpu.memref_slice %arg5[%dma_start3A_257, %dma_start3A_261] : memref<32x128xi32, #tpu.memory_space<vmem>> -> memref<1x128xi32, #tpu.memory_space<vmem>>
    %dma_start3A_263 = tpu.memref_squeeze %dma_start3A_262 : memref<1x128xi32, #tpu.memory_space<vmem>> -> memref<128xi32, #tpu.memory_space<vmem>>
    %dma_start3A_264 = arith.constant 0 : i32
    %dma_start3A_265 = arith.constant 0 : i32
    %dma_start3A_266 = tpu.memref_slice %arg2[%dma_start3A_264, %dma_start3A_265] : memref<131072x32xf32, #tpu.memory_space<hbm>> -> memref<131072x32xf32, #tpu.memory_space<hbm>>
    tpu.enqueue_indirect_dma source(%dma_start3A_266 : memref<131072x32xf32, #tpu.memory_space<hbm>>) target(%dma_start3A_260 : memref<128x32xf32, #tpu.memory_space<vmem>>) offsets(%dma_start3A_263 : memref<128xi32, #tpu.memory_space<vmem>>) semaphore(%arg7 : memref<!tpu.dma_semaphore, #tpu.memory_space<semaphore_mem>>)
    %dma_start3A_267 = arith.constant 14 : i32
    %dma_start3A_268 = arith.constant 256 : i32
    %dma_start3A_269 = arith.constant 0 : i32
    %dma_start3A_270 = tpu.memref_slice %arg6[%dma_start3A_268, %dma_start3A_269] : memref<512x32xf32, #tpu.memory_space<vmem>> -> memref<128x32xf32, #tpu.memory_space<vmem>>
    %dma_start3A_271 = arith.constant 0 : i32
    %dma_start3A_272 = tpu.memref_slice %arg5[%dma_start3A_267, %dma_start3A_271] : memref<32x128xi32, #tpu.memory_space<vmem>> -> memref<1x128xi32, #tpu.memory_space<vmem>>
    %dma_start3A_273 = tpu.memref_squeeze %dma_start3A_272 : memref<1x128xi32, #tpu.memory_space<vmem>> -> memref<128xi32, #tpu.memory_space<vmem>>
    %dma_start3A_274 = arith.constant 0 : i32
    %dma_start3A_275 = arith.constant 0 : i32
    %dma_start3A_276 = tpu.memref_slice %arg2[%dma_start3A_274, %dma_start3A_275] : memref<131072x32xf32, #tpu.memory_space<hbm>> -> memref<131072x32xf32, #tpu.memory_space<hbm>>
    tpu.enqueue_indirect_dma source(%dma_start3A_276 : memref<131072x32xf32, #tpu.memory_space<hbm>>) target(%dma_start3A_270 : memref<128x32xf32, #tpu.memory_space<vmem>>) offsets(%dma_start3A_273 : memref<128xi32, #tpu.memory_space<vmem>>) semaphore(%arg7 : memref<!tpu.dma_semaphore, #tpu.memory_space<semaphore_mem>>)
    %dma_start3A_277 = arith.constant 15 : i32
    %dma_start3A_278 = arith.constant 384 : i32
    %dma_start3A_279 = arith.constant 0 : i32
    %dma_start3A_280 = tpu.memref_slice %arg6[%dma_start3A_278, %dma_start3A_279] : memref<512x32xf32, #tpu.memory_space<vmem>> -> memref<128x32xf32, #tpu.memory_space<vmem>>
    %dma_start3A_281 = arith.constant 0 : i32
    %dma_start3A_282 = tpu.memref_slice %arg5[%dma_start3A_277, %dma_start3A_281] : memref<32x128xi32, #tpu.memory_space<vmem>> -> memref<1x128xi32, #tpu.memory_space<vmem>>
    %dma_start3A_283 = tpu.memref_squeeze %dma_start3A_282 : memref<1x128xi32, #tpu.memory_space<vmem>> -> memref<128xi32, #tpu.memory_space<vmem>>
    %dma_start3A_284 = arith.constant 0 : i32
    %dma_start3A_285 = arith.constant 0 : i32
    %dma_start3A_286 = tpu.memref_slice %arg2[%dma_start3A_284, %dma_start3A_285] : memref<131072x32xf32, #tpu.memory_space<hbm>> -> memref<131072x32xf32, #tpu.memory_space<hbm>>
    tpu.enqueue_indirect_dma source(%dma_start3A_286 : memref<131072x32xf32, #tpu.memory_space<hbm>>) target(%dma_start3A_280 : memref<128x32xf32, #tpu.memory_space<vmem>>) offsets(%dma_start3A_283 : memref<128xi32, #tpu.memory_space<vmem>>) semaphore(%arg7 : memref<!tpu.dma_semaphore, #tpu.memory_space<semaphore_mem>>)
    %dma_wait3A_287 = arith.constant 12 : i32
    %dma_wait3A_288 = arith.constant 0 : i32
    %dma_wait3A_289 = arith.constant 0 : i32
    %dma_wait3A_290 = tpu.memref_slice %arg6[%dma_wait3A_288, %dma_wait3A_289] : memref<512x32xf32, #tpu.memory_space<vmem>> -> memref<128x32xf32, #tpu.memory_space<vmem>>
    %dma_wait3A_291 = arith.constant 0 : i32
    %dma_wait3A_292 = tpu.memref_slice %arg5[%dma_wait3A_287, %dma_wait3A_291] : memref<32x128xi32, #tpu.memory_space<vmem>> -> memref<1x128xi32, #tpu.memory_space<vmem>>
    %dma_wait3A_293 = tpu.memref_squeeze %dma_wait3A_292 : memref<1x128xi32, #tpu.memory_space<vmem>> -> memref<128xi32, #tpu.memory_space<vmem>>
    %dma_wait3A_294 = arith.constant 0 : i32
    %dma_wait3A_295 = arith.constant 0 : i32
    %dma_wait3A_296 = tpu.memref_slice %arg2[%dma_wait3A_294, %dma_wait3A_295] : memref<131072x32xf32, #tpu.memory_space<hbm>> -> memref<131072x32xf32, #tpu.memory_space<hbm>>
    tpu.wait_indirect_dma semaphore(%arg7 : memref<!tpu.dma_semaphore, #tpu.memory_space<semaphore_mem>>) src(%dma_wait3A_296 : memref<131072x32xf32, #tpu.memory_space<hbm>>) dst(%dma_wait3A_290 : memref<128x32xf32, #tpu.memory_space<vmem>>)
    %dma_wait3A_297 = arith.constant 13 : i32
    %dma_wait3A_298 = arith.constant 128 : i32
    %dma_wait3A_299 = arith.constant 0 : i32
    %dma_wait3A_300 = tpu.memref_slice %arg6[%dma_wait3A_298, %dma_wait3A_299] : memref<512x32xf32, #tpu.memory_space<vmem>> -> memref<128x32xf32, #tpu.memory_space<vmem>>
    %dma_wait3A_301 = arith.constant 0 : i32
    %dma_wait3A_302 = tpu.memref_slice %arg5[%dma_wait3A_297, %dma_wait3A_301] : memref<32x128xi32, #tpu.memory_space<vmem>> -> memref<1x128xi32, #tpu.memory_space<vmem>>
    %dma_wait3A_303 = tpu.memref_squeeze %dma_wait3A_302 : memref<1x128xi32, #tpu.memory_space<vmem>> -> memref<128xi32, #tpu.memory_space<vmem>>
    %dma_wait3A_304 = arith.constant 0 : i32
    %dma_wait3A_305 = arith.constant 0 : i32
    %dma_wait3A_306 = tpu.memref_slice %arg2[%dma_wait3A_304, %dma_wait3A_305] : memref<131072x32xf32, #tpu.memory_space<hbm>> -> memref<131072x32xf32, #tpu.memory_space<hbm>>
    tpu.wait_indirect_dma semaphore(%arg7 : memref<!tpu.dma_semaphore, #tpu.memory_space<semaphore_mem>>) src(%dma_wait3A_306 : memref<131072x32xf32, #tpu.memory_space<hbm>>) dst(%dma_wait3A_300 : memref<128x32xf32, #tpu.memory_space<vmem>>)
    %dma_wait3A_307 = arith.constant 14 : i32
    %dma_wait3A_308 = arith.constant 256 : i32
    %dma_wait3A_309 = arith.constant 0 : i32
    %dma_wait3A_310 = tpu.memref_slice %arg6[%dma_wait3A_308, %dma_wait3A_309] : memref<512x32xf32, #tpu.memory_space<vmem>> -> memref<128x32xf32, #tpu.memory_space<vmem>>
    %dma_wait3A_311 = arith.constant 0 : i32
    %dma_wait3A_312 = tpu.memref_slice %arg5[%dma_wait3A_307, %dma_wait3A_311] : memref<32x128xi32, #tpu.memory_space<vmem>> -> memref<1x128xi32, #tpu.memory_space<vmem>>
    %dma_wait3A_313 = tpu.memref_squeeze %dma_wait3A_312 : memref<1x128xi32, #tpu.memory_space<vmem>> -> memref<128xi32, #tpu.memory_space<vmem>>
    %dma_wait3A_314 = arith.constant 0 : i32
    %dma_wait3A_315 = arith.constant 0 : i32
    %dma_wait3A_316 = tpu.memref_slice %arg2[%dma_wait3A_314, %dma_wait3A_315] : memref<131072x32xf32, #tpu.memory_space<hbm>> -> memref<131072x32xf32, #tpu.memory_space<hbm>>
    tpu.wait_indirect_dma semaphore(%arg7 : memref<!tpu.dma_semaphore, #tpu.memory_space<semaphore_mem>>) src(%dma_wait3A_316 : memref<131072x32xf32, #tpu.memory_space<hbm>>) dst(%dma_wait3A_310 : memref<128x32xf32, #tpu.memory_space<vmem>>)
    %dma_wait3A_317 = arith.constant 15 : i32
    %dma_wait3A_318 = arith.constant 384 : i32
    %dma_wait3A_319 = arith.constant 0 : i32
    %dma_wait3A_320 = tpu.memref_slice %arg6[%dma_wait3A_318, %dma_wait3A_319] : memref<512x32xf32, #tpu.memory_space<vmem>> -> memref<128x32xf32, #tpu.memory_space<vmem>>
    %dma_wait3A_321 = arith.constant 0 : i32
    %dma_wait3A_322 = tpu.memref_slice %arg5[%dma_wait3A_317, %dma_wait3A_321] : memref<32x128xi32, #tpu.memory_space<vmem>> -> memref<1x128xi32, #tpu.memory_space<vmem>>
    %dma_wait3A_323 = tpu.memref_squeeze %dma_wait3A_322 : memref<1x128xi32, #tpu.memory_space<vmem>> -> memref<128xi32, #tpu.memory_space<vmem>>
    %dma_wait3A_324 = arith.constant 0 : i32
    %dma_wait3A_325 = arith.constant 0 : i32
    %dma_wait3A_326 = tpu.memref_slice %arg2[%dma_wait3A_324, %dma_wait3A_325] : memref<131072x32xf32, #tpu.memory_space<hbm>> -> memref<131072x32xf32, #tpu.memory_space<hbm>>
    tpu.wait_indirect_dma semaphore(%arg7 : memref<!tpu.dma_semaphore, #tpu.memory_space<semaphore_mem>>) src(%dma_wait3A_326 : memref<131072x32xf32, #tpu.memory_space<hbm>>) dst(%dma_wait3A_320 : memref<128x32xf32, #tpu.memory_space<vmem>>)
    %add3A_327 = arith.constant 1536 : i32
    %add3A_328 = arith.addi %mul3A_2, %add3A_327 : i32
    "tpu.region"() ({
      %run_scoped3A = tpu.sem_alloc : memref<!tpu.dma_semaphore, #tpu.memory_space<semaphore_mem>>
      %dma_start3A_657 = arith.constant 0 : i32
      %dma_start3A_658 = tpu.memref_slice %arg4[%add3A_328, %dma_start3A_657] : memref<131072x32xf32, #tpu.memory_space<hbm>> -> memref<512x32xf32, #tpu.memory_space<hbm>>
      %dma_start3A_659 = arith.constant 0 : i32
      %dma_start3A_660 = tpu.memref_slice %arg4[%add3A_328, %dma_start3A_659] : memref<131072x32xf32, #tpu.memory_space<hbm>> -> memref<512x32xf32, #tpu.memory_space<hbm>>
      tpu.enqueue_dma source(%arg6 : memref<512x32xf32, #tpu.memory_space<vmem>>) target(%dma_start3A_660 : memref<512x32xf32, #tpu.memory_space<hbm>>) target_semaphore(%run_scoped3A : memref<!tpu.dma_semaphore, #tpu.memory_space<semaphore_mem>>)
      %dma_wait3A_661 = arith.constant 0 : i32
      %dma_wait3A_662 = tpu.memref_slice %arg4[%add3A_328, %dma_wait3A_661] : memref<131072x32xf32, #tpu.memory_space<hbm>> -> memref<512x32xf32, #tpu.memory_space<hbm>>
      %dma_wait3A_663 = arith.constant 0 : i32
      %dma_wait3A_664 = tpu.memref_slice %arg4[%add3A_328, %dma_wait3A_663] : memref<131072x32xf32, #tpu.memory_space<hbm>> -> memref<512x32xf32, #tpu.memory_space<hbm>>
      tpu.wait_dma2 semaphore(%run_scoped3A : memref<!tpu.dma_semaphore, #tpu.memory_space<semaphore_mem>>) src(%arg6 : memref<512x32xf32, #tpu.memory_space<vmem>>) dst(%dma_wait3A_664 : memref<512x32xf32, #tpu.memory_space<hbm>>)
      tpu.yield
    }) : () -> ()
    %dma_start3A_329 = arith.constant 16 : i32
    %dma_start3A_330 = arith.constant 0 : i32
    %dma_start3A_331 = arith.constant 0 : i32
    %dma_start3A_332 = tpu.memref_slice %arg6[%dma_start3A_330, %dma_start3A_331] : memref<512x32xf32, #tpu.memory_space<vmem>> -> memref<128x32xf32, #tpu.memory_space<vmem>>
    %dma_start3A_333 = arith.constant 0 : i32
    %dma_start3A_334 = tpu.memref_slice %arg5[%dma_start3A_329, %dma_start3A_333] : memref<32x128xi32, #tpu.memory_space<vmem>> -> memref<1x128xi32, #tpu.memory_space<vmem>>
    %dma_start3A_335 = tpu.memref_squeeze %dma_start3A_334 : memref<1x128xi32, #tpu.memory_space<vmem>> -> memref<128xi32, #tpu.memory_space<vmem>>
    %dma_start3A_336 = arith.constant 0 : i32
    %dma_start3A_337 = arith.constant 0 : i32
    %dma_start3A_338 = tpu.memref_slice %arg2[%dma_start3A_336, %dma_start3A_337] : memref<131072x32xf32, #tpu.memory_space<hbm>> -> memref<131072x32xf32, #tpu.memory_space<hbm>>
    tpu.enqueue_indirect_dma source(%dma_start3A_338 : memref<131072x32xf32, #tpu.memory_space<hbm>>) target(%dma_start3A_332 : memref<128x32xf32, #tpu.memory_space<vmem>>) offsets(%dma_start3A_335 : memref<128xi32, #tpu.memory_space<vmem>>) semaphore(%arg7 : memref<!tpu.dma_semaphore, #tpu.memory_space<semaphore_mem>>)
    %dma_start3A_339 = arith.constant 17 : i32
    %dma_start3A_340 = arith.constant 128 : i32
    %dma_start3A_341 = arith.constant 0 : i32
    %dma_start3A_342 = tpu.memref_slice %arg6[%dma_start3A_340, %dma_start3A_341] : memref<512x32xf32, #tpu.memory_space<vmem>> -> memref<128x32xf32, #tpu.memory_space<vmem>>
    %dma_start3A_343 = arith.constant 0 : i32
    %dma_start3A_344 = tpu.memref_slice %arg5[%dma_start3A_339, %dma_start3A_343] : memref<32x128xi32, #tpu.memory_space<vmem>> -> memref<1x128xi32, #tpu.memory_space<vmem>>
    %dma_start3A_345 = tpu.memref_squeeze %dma_start3A_344 : memref<1x128xi32, #tpu.memory_space<vmem>> -> memref<128xi32, #tpu.memory_space<vmem>>
    %dma_start3A_346 = arith.constant 0 : i32
    %dma_start3A_347 = arith.constant 0 : i32
    %dma_start3A_348 = tpu.memref_slice %arg2[%dma_start3A_346, %dma_start3A_347] : memref<131072x32xf32, #tpu.memory_space<hbm>> -> memref<131072x32xf32, #tpu.memory_space<hbm>>
    tpu.enqueue_indirect_dma source(%dma_start3A_348 : memref<131072x32xf32, #tpu.memory_space<hbm>>) target(%dma_start3A_342 : memref<128x32xf32, #tpu.memory_space<vmem>>) offsets(%dma_start3A_345 : memref<128xi32, #tpu.memory_space<vmem>>) semaphore(%arg7 : memref<!tpu.dma_semaphore, #tpu.memory_space<semaphore_mem>>)
    %dma_start3A_349 = arith.constant 18 : i32
    %dma_start3A_350 = arith.constant 256 : i32
    %dma_start3A_351 = arith.constant 0 : i32
    %dma_start3A_352 = tpu.memref_slice %arg6[%dma_start3A_350, %dma_start3A_351] : memref<512x32xf32, #tpu.memory_space<vmem>> -> memref<128x32xf32, #tpu.memory_space<vmem>>
    %dma_start3A_353 = arith.constant 0 : i32
    %dma_start3A_354 = tpu.memref_slice %arg5[%dma_start3A_349, %dma_start3A_353] : memref<32x128xi32, #tpu.memory_space<vmem>> -> memref<1x128xi32, #tpu.memory_space<vmem>>
    %dma_start3A_355 = tpu.memref_squeeze %dma_start3A_354 : memref<1x128xi32, #tpu.memory_space<vmem>> -> memref<128xi32, #tpu.memory_space<vmem>>
    %dma_start3A_356 = arith.constant 0 : i32
    %dma_start3A_357 = arith.constant 0 : i32
    %dma_start3A_358 = tpu.memref_slice %arg2[%dma_start3A_356, %dma_start3A_357] : memref<131072x32xf32, #tpu.memory_space<hbm>> -> memref<131072x32xf32, #tpu.memory_space<hbm>>
    tpu.enqueue_indirect_dma source(%dma_start3A_358 : memref<131072x32xf32, #tpu.memory_space<hbm>>) target(%dma_start3A_352 : memref<128x32xf32, #tpu.memory_space<vmem>>) offsets(%dma_start3A_355 : memref<128xi32, #tpu.memory_space<vmem>>) semaphore(%arg7 : memref<!tpu.dma_semaphore, #tpu.memory_space<semaphore_mem>>)
    %dma_start3A_359 = arith.constant 19 : i32
    %dma_start3A_360 = arith.constant 384 : i32
    %dma_start3A_361 = arith.constant 0 : i32
    %dma_start3A_362 = tpu.memref_slice %arg6[%dma_start3A_360, %dma_start3A_361] : memref<512x32xf32, #tpu.memory_space<vmem>> -> memref<128x32xf32, #tpu.memory_space<vmem>>
    %dma_start3A_363 = arith.constant 0 : i32
    %dma_start3A_364 = tpu.memref_slice %arg5[%dma_start3A_359, %dma_start3A_363] : memref<32x128xi32, #tpu.memory_space<vmem>> -> memref<1x128xi32, #tpu.memory_space<vmem>>
    %dma_start3A_365 = tpu.memref_squeeze %dma_start3A_364 : memref<1x128xi32, #tpu.memory_space<vmem>> -> memref<128xi32, #tpu.memory_space<vmem>>
    %dma_start3A_366 = arith.constant 0 : i32
    %dma_start3A_367 = arith.constant 0 : i32
    %dma_start3A_368 = tpu.memref_slice %arg2[%dma_start3A_366, %dma_start3A_367] : memref<131072x32xf32, #tpu.memory_space<hbm>> -> memref<131072x32xf32, #tpu.memory_space<hbm>>
    tpu.enqueue_indirect_dma source(%dma_start3A_368 : memref<131072x32xf32, #tpu.memory_space<hbm>>) target(%dma_start3A_362 : memref<128x32xf32, #tpu.memory_space<vmem>>) offsets(%dma_start3A_365 : memref<128xi32, #tpu.memory_space<vmem>>) semaphore(%arg7 : memref<!tpu.dma_semaphore, #tpu.memory_space<semaphore_mem>>)
    %dma_wait3A_369 = arith.constant 16 : i32
    %dma_wait3A_370 = arith.constant 0 : i32
    %dma_wait3A_371 = arith.constant 0 : i32
    %dma_wait3A_372 = tpu.memref_slice %arg6[%dma_wait3A_370, %dma_wait3A_371] : memref<512x32xf32, #tpu.memory_space<vmem>> -> memref<128x32xf32, #tpu.memory_space<vmem>>
    %dma_wait3A_373 = arith.constant 0 : i32
    %dma_wait3A_374 = tpu.memref_slice %arg5[%dma_wait3A_369, %dma_wait3A_373] : memref<32x128xi32, #tpu.memory_space<vmem>> -> memref<1x128xi32, #tpu.memory_space<vmem>>
    %dma_wait3A_375 = tpu.memref_squeeze %dma_wait3A_374 : memref<1x128xi32, #tpu.memory_space<vmem>> -> memref<128xi32, #tpu.memory_space<vmem>>
    %dma_wait3A_376 = arith.constant 0 : i32
    %dma_wait3A_377 = arith.constant 0 : i32
    %dma_wait3A_378 = tpu.memref_slice %arg2[%dma_wait3A_376, %dma_wait3A_377] : memref<131072x32xf32, #tpu.memory_space<hbm>> -> memref<131072x32xf32, #tpu.memory_space<hbm>>
    tpu.wait_indirect_dma semaphore(%arg7 : memref<!tpu.dma_semaphore, #tpu.memory_space<semaphore_mem>>) src(%dma_wait3A_378 : memref<131072x32xf32, #tpu.memory_space<hbm>>) dst(%dma_wait3A_372 : memref<128x32xf32, #tpu.memory_space<vmem>>)
    %dma_wait3A_379 = arith.constant 17 : i32
    %dma_wait3A_380 = arith.constant 128 : i32
    %dma_wait3A_381 = arith.constant 0 : i32
    %dma_wait3A_382 = tpu.memref_slice %arg6[%dma_wait3A_380, %dma_wait3A_381] : memref<512x32xf32, #tpu.memory_space<vmem>> -> memref<128x32xf32, #tpu.memory_space<vmem>>
    %dma_wait3A_383 = arith.constant 0 : i32
    %dma_wait3A_384 = tpu.memref_slice %arg5[%dma_wait3A_379, %dma_wait3A_383] : memref<32x128xi32, #tpu.memory_space<vmem>> -> memref<1x128xi32, #tpu.memory_space<vmem>>
    %dma_wait3A_385 = tpu.memref_squeeze %dma_wait3A_384 : memref<1x128xi32, #tpu.memory_space<vmem>> -> memref<128xi32, #tpu.memory_space<vmem>>
    %dma_wait3A_386 = arith.constant 0 : i32
    %dma_wait3A_387 = arith.constant 0 : i32
    %dma_wait3A_388 = tpu.memref_slice %arg2[%dma_wait3A_386, %dma_wait3A_387] : memref<131072x32xf32, #tpu.memory_space<hbm>> -> memref<131072x32xf32, #tpu.memory_space<hbm>>
    tpu.wait_indirect_dma semaphore(%arg7 : memref<!tpu.dma_semaphore, #tpu.memory_space<semaphore_mem>>) src(%dma_wait3A_388 : memref<131072x32xf32, #tpu.memory_space<hbm>>) dst(%dma_wait3A_382 : memref<128x32xf32, #tpu.memory_space<vmem>>)
    %dma_wait3A_389 = arith.constant 18 : i32
    %dma_wait3A_390 = arith.constant 256 : i32
    %dma_wait3A_391 = arith.constant 0 : i32
    %dma_wait3A_392 = tpu.memref_slice %arg6[%dma_wait3A_390, %dma_wait3A_391] : memref<512x32xf32, #tpu.memory_space<vmem>> -> memref<128x32xf32, #tpu.memory_space<vmem>>
    %dma_wait3A_393 = arith.constant 0 : i32
    %dma_wait3A_394 = tpu.memref_slice %arg5[%dma_wait3A_389, %dma_wait3A_393] : memref<32x128xi32, #tpu.memory_space<vmem>> -> memref<1x128xi32, #tpu.memory_space<vmem>>
    %dma_wait3A_395 = tpu.memref_squeeze %dma_wait3A_394 : memref<1x128xi32, #tpu.memory_space<vmem>> -> memref<128xi32, #tpu.memory_space<vmem>>
    %dma_wait3A_396 = arith.constant 0 : i32
    %dma_wait3A_397 = arith.constant 0 : i32
    %dma_wait3A_398 = tpu.memref_slice %arg2[%dma_wait3A_396, %dma_wait3A_397] : memref<131072x32xf32, #tpu.memory_space<hbm>> -> memref<131072x32xf32, #tpu.memory_space<hbm>>
    tpu.wait_indirect_dma semaphore(%arg7 : memref<!tpu.dma_semaphore, #tpu.memory_space<semaphore_mem>>) src(%dma_wait3A_398 : memref<131072x32xf32, #tpu.memory_space<hbm>>) dst(%dma_wait3A_392 : memref<128x32xf32, #tpu.memory_space<vmem>>)
    %dma_wait3A_399 = arith.constant 19 : i32
    %dma_wait3A_400 = arith.constant 384 : i32
    %dma_wait3A_401 = arith.constant 0 : i32
    %dma_wait3A_402 = tpu.memref_slice %arg6[%dma_wait3A_400, %dma_wait3A_401] : memref<512x32xf32, #tpu.memory_space<vmem>> -> memref<128x32xf32, #tpu.memory_space<vmem>>
    %dma_wait3A_403 = arith.constant 0 : i32
    %dma_wait3A_404 = tpu.memref_slice %arg5[%dma_wait3A_399, %dma_wait3A_403] : memref<32x128xi32, #tpu.memory_space<vmem>> -> memref<1x128xi32, #tpu.memory_space<vmem>>
    %dma_wait3A_405 = tpu.memref_squeeze %dma_wait3A_404 : memref<1x128xi32, #tpu.memory_space<vmem>> -> memref<128xi32, #tpu.memory_space<vmem>>
    %dma_wait3A_406 = arith.constant 0 : i32
    %dma_wait3A_407 = arith.constant 0 : i32
    %dma_wait3A_408 = tpu.memref_slice %arg2[%dma_wait3A_406, %dma_wait3A_407] : memref<131072x32xf32, #tpu.memory_space<hbm>> -> memref<131072x32xf32, #tpu.memory_space<hbm>>
    tpu.wait_indirect_dma semaphore(%arg7 : memref<!tpu.dma_semaphore, #tpu.memory_space<semaphore_mem>>) src(%dma_wait3A_408 : memref<131072x32xf32, #tpu.memory_space<hbm>>) dst(%dma_wait3A_402 : memref<128x32xf32, #tpu.memory_space<vmem>>)
    %add3A_409 = arith.constant 2048 : i32
    %add3A_410 = arith.addi %mul3A_2, %add3A_409 : i32
    "tpu.region"() ({
      %run_scoped3A = tpu.sem_alloc : memref<!tpu.dma_semaphore, #tpu.memory_space<semaphore_mem>>
      %dma_start3A_657 = arith.constant 0 : i32
      %dma_start3A_658 = tpu.memref_slice %arg4[%add3A_410, %dma_start3A_657] : memref<131072x32xf32, #tpu.memory_space<hbm>> -> memref<512x32xf32, #tpu.memory_space<hbm>>
      %dma_start3A_659 = arith.constant 0 : i32
      %dma_start3A_660 = tpu.memref_slice %arg4[%add3A_410, %dma_start3A_659] : memref<131072x32xf32, #tpu.memory_space<hbm>> -> memref<512x32xf32, #tpu.memory_space<hbm>>
      tpu.enqueue_dma source(%arg6 : memref<512x32xf32, #tpu.memory_space<vmem>>) target(%dma_start3A_660 : memref<512x32xf32, #tpu.memory_space<hbm>>) target_semaphore(%run_scoped3A : memref<!tpu.dma_semaphore, #tpu.memory_space<semaphore_mem>>)
      %dma_wait3A_661 = arith.constant 0 : i32
      %dma_wait3A_662 = tpu.memref_slice %arg4[%add3A_410, %dma_wait3A_661] : memref<131072x32xf32, #tpu.memory_space<hbm>> -> memref<512x32xf32, #tpu.memory_space<hbm>>
      %dma_wait3A_663 = arith.constant 0 : i32
      %dma_wait3A_664 = tpu.memref_slice %arg4[%add3A_410, %dma_wait3A_663] : memref<131072x32xf32, #tpu.memory_space<hbm>> -> memref<512x32xf32, #tpu.memory_space<hbm>>
      tpu.wait_dma2 semaphore(%run_scoped3A : memref<!tpu.dma_semaphore, #tpu.memory_space<semaphore_mem>>) src(%arg6 : memref<512x32xf32, #tpu.memory_space<vmem>>) dst(%dma_wait3A_664 : memref<512x32xf32, #tpu.memory_space<hbm>>)
      tpu.yield
    }) : () -> ()
    %dma_start3A_411 = arith.constant 20 : i32
    %dma_start3A_412 = arith.constant 0 : i32
    %dma_start3A_413 = arith.constant 0 : i32
    %dma_start3A_414 = tpu.memref_slice %arg6[%dma_start3A_412, %dma_start3A_413] : memref<512x32xf32, #tpu.memory_space<vmem>> -> memref<128x32xf32, #tpu.memory_space<vmem>>
    %dma_start3A_415 = arith.constant 0 : i32
    %dma_start3A_416 = tpu.memref_slice %arg5[%dma_start3A_411, %dma_start3A_415] : memref<32x128xi32, #tpu.memory_space<vmem>> -> memref<1x128xi32, #tpu.memory_space<vmem>>
    %dma_start3A_417 = tpu.memref_squeeze %dma_start3A_416 : memref<1x128xi32, #tpu.memory_space<vmem>> -> memref<128xi32, #tpu.memory_space<vmem>>
    %dma_start3A_418 = arith.constant 0 : i32
    %dma_start3A_419 = arith.constant 0 : i32
    %dma_start3A_420 = tpu.memref_slice %arg2[%dma_start3A_418, %dma_start3A_419] : memref<131072x32xf32, #tpu.memory_space<hbm>> -> memref<131072x32xf32, #tpu.memory_space<hbm>>
    tpu.enqueue_indirect_dma source(%dma_start3A_420 : memref<131072x32xf32, #tpu.memory_space<hbm>>) target(%dma_start3A_414 : memref<128x32xf32, #tpu.memory_space<vmem>>) offsets(%dma_start3A_417 : memref<128xi32, #tpu.memory_space<vmem>>) semaphore(%arg7 : memref<!tpu.dma_semaphore, #tpu.memory_space<semaphore_mem>>)
    %dma_start3A_421 = arith.constant 21 : i32
    %dma_start3A_422 = arith.constant 128 : i32
    %dma_start3A_423 = arith.constant 0 : i32
    %dma_start3A_424 = tpu.memref_slice %arg6[%dma_start3A_422, %dma_start3A_423] : memref<512x32xf32, #tpu.memory_space<vmem>> -> memref<128x32xf32, #tpu.memory_space<vmem>>
    %dma_start3A_425 = arith.constant 0 : i32
    %dma_start3A_426 = tpu.memref_slice %arg5[%dma_start3A_421, %dma_start3A_425] : memref<32x128xi32, #tpu.memory_space<vmem>> -> memref<1x128xi32, #tpu.memory_space<vmem>>
    %dma_start3A_427 = tpu.memref_squeeze %dma_start3A_426 : memref<1x128xi32, #tpu.memory_space<vmem>> -> memref<128xi32, #tpu.memory_space<vmem>>
    %dma_start3A_428 = arith.constant 0 : i32
    %dma_start3A_429 = arith.constant 0 : i32
    %dma_start3A_430 = tpu.memref_slice %arg2[%dma_start3A_428, %dma_start3A_429] : memref<131072x32xf32, #tpu.memory_space<hbm>> -> memref<131072x32xf32, #tpu.memory_space<hbm>>
    tpu.enqueue_indirect_dma source(%dma_start3A_430 : memref<131072x32xf32, #tpu.memory_space<hbm>>) target(%dma_start3A_424 : memref<128x32xf32, #tpu.memory_space<vmem>>) offsets(%dma_start3A_427 : memref<128xi32, #tpu.memory_space<vmem>>) semaphore(%arg7 : memref<!tpu.dma_semaphore, #tpu.memory_space<semaphore_mem>>)
    %dma_start3A_431 = arith.constant 22 : i32
    %dma_start3A_432 = arith.constant 256 : i32
    %dma_start3A_433 = arith.constant 0 : i32
    %dma_start3A_434 = tpu.memref_slice %arg6[%dma_start3A_432, %dma_start3A_433] : memref<512x32xf32, #tpu.memory_space<vmem>> -> memref<128x32xf32, #tpu.memory_space<vmem>>
    %dma_start3A_435 = arith.constant 0 : i32
    %dma_start3A_436 = tpu.memref_slice %arg5[%dma_start3A_431, %dma_start3A_435] : memref<32x128xi32, #tpu.memory_space<vmem>> -> memref<1x128xi32, #tpu.memory_space<vmem>>
    %dma_start3A_437 = tpu.memref_squeeze %dma_start3A_436 : memref<1x128xi32, #tpu.memory_space<vmem>> -> memref<128xi32, #tpu.memory_space<vmem>>
    %dma_start3A_438 = arith.constant 0 : i32
    %dma_start3A_439 = arith.constant 0 : i32
    %dma_start3A_440 = tpu.memref_slice %arg2[%dma_start3A_438, %dma_start3A_439] : memref<131072x32xf32, #tpu.memory_space<hbm>> -> memref<131072x32xf32, #tpu.memory_space<hbm>>
    tpu.enqueue_indirect_dma source(%dma_start3A_440 : memref<131072x32xf32, #tpu.memory_space<hbm>>) target(%dma_start3A_434 : memref<128x32xf32, #tpu.memory_space<vmem>>) offsets(%dma_start3A_437 : memref<128xi32, #tpu.memory_space<vmem>>) semaphore(%arg7 : memref<!tpu.dma_semaphore, #tpu.memory_space<semaphore_mem>>)
    %dma_start3A_441 = arith.constant 23 : i32
    %dma_start3A_442 = arith.constant 384 : i32
    %dma_start3A_443 = arith.constant 0 : i32
    %dma_start3A_444 = tpu.memref_slice %arg6[%dma_start3A_442, %dma_start3A_443] : memref<512x32xf32, #tpu.memory_space<vmem>> -> memref<128x32xf32, #tpu.memory_space<vmem>>
    %dma_start3A_445 = arith.constant 0 : i32
    %dma_start3A_446 = tpu.memref_slice %arg5[%dma_start3A_441, %dma_start3A_445] : memref<32x128xi32, #tpu.memory_space<vmem>> -> memref<1x128xi32, #tpu.memory_space<vmem>>
    %dma_start3A_447 = tpu.memref_squeeze %dma_start3A_446 : memref<1x128xi32, #tpu.memory_space<vmem>> -> memref<128xi32, #tpu.memory_space<vmem>>
    %dma_start3A_448 = arith.constant 0 : i32
    %dma_start3A_449 = arith.constant 0 : i32
    %dma_start3A_450 = tpu.memref_slice %arg2[%dma_start3A_448, %dma_start3A_449] : memref<131072x32xf32, #tpu.memory_space<hbm>> -> memref<131072x32xf32, #tpu.memory_space<hbm>>
    tpu.enqueue_indirect_dma source(%dma_start3A_450 : memref<131072x32xf32, #tpu.memory_space<hbm>>) target(%dma_start3A_444 : memref<128x32xf32, #tpu.memory_space<vmem>>) offsets(%dma_start3A_447 : memref<128xi32, #tpu.memory_space<vmem>>) semaphore(%arg7 : memref<!tpu.dma_semaphore, #tpu.memory_space<semaphore_mem>>)
    %dma_wait3A_451 = arith.constant 20 : i32
    %dma_wait3A_452 = arith.constant 0 : i32
    %dma_wait3A_453 = arith.constant 0 : i32
    %dma_wait3A_454 = tpu.memref_slice %arg6[%dma_wait3A_452, %dma_wait3A_453] : memref<512x32xf32, #tpu.memory_space<vmem>> -> memref<128x32xf32, #tpu.memory_space<vmem>>
    %dma_wait3A_455 = arith.constant 0 : i32
    %dma_wait3A_456 = tpu.memref_slice %arg5[%dma_wait3A_451, %dma_wait3A_455] : memref<32x128xi32, #tpu.memory_space<vmem>> -> memref<1x128xi32, #tpu.memory_space<vmem>>
    %dma_wait3A_457 = tpu.memref_squeeze %dma_wait3A_456 : memref<1x128xi32, #tpu.memory_space<vmem>> -> memref<128xi32, #tpu.memory_space<vmem>>
    %dma_wait3A_458 = arith.constant 0 : i32
    %dma_wait3A_459 = arith.constant 0 : i32
    %dma_wait3A_460 = tpu.memref_slice %arg2[%dma_wait3A_458, %dma_wait3A_459] : memref<131072x32xf32, #tpu.memory_space<hbm>> -> memref<131072x32xf32, #tpu.memory_space<hbm>>
    tpu.wait_indirect_dma semaphore(%arg7 : memref<!tpu.dma_semaphore, #tpu.memory_space<semaphore_mem>>) src(%dma_wait3A_460 : memref<131072x32xf32, #tpu.memory_space<hbm>>) dst(%dma_wait3A_454 : memref<128x32xf32, #tpu.memory_space<vmem>>)
    %dma_wait3A_461 = arith.constant 21 : i32
    %dma_wait3A_462 = arith.constant 128 : i32
    %dma_wait3A_463 = arith.constant 0 : i32
    %dma_wait3A_464 = tpu.memref_slice %arg6[%dma_wait3A_462, %dma_wait3A_463] : memref<512x32xf32, #tpu.memory_space<vmem>> -> memref<128x32xf32, #tpu.memory_space<vmem>>
    %dma_wait3A_465 = arith.constant 0 : i32
    %dma_wait3A_466 = tpu.memref_slice %arg5[%dma_wait3A_461, %dma_wait3A_465] : memref<32x128xi32, #tpu.memory_space<vmem>> -> memref<1x128xi32, #tpu.memory_space<vmem>>
    %dma_wait3A_467 = tpu.memref_squeeze %dma_wait3A_466 : memref<1x128xi32, #tpu.memory_space<vmem>> -> memref<128xi32, #tpu.memory_space<vmem>>
    %dma_wait3A_468 = arith.constant 0 : i32
    %dma_wait3A_469 = arith.constant 0 : i32
    %dma_wait3A_470 = tpu.memref_slice %arg2[%dma_wait3A_468, %dma_wait3A_469] : memref<131072x32xf32, #tpu.memory_space<hbm>> -> memref<131072x32xf32, #tpu.memory_space<hbm>>
    tpu.wait_indirect_dma semaphore(%arg7 : memref<!tpu.dma_semaphore, #tpu.memory_space<semaphore_mem>>) src(%dma_wait3A_470 : memref<131072x32xf32, #tpu.memory_space<hbm>>) dst(%dma_wait3A_464 : memref<128x32xf32, #tpu.memory_space<vmem>>)
    %dma_wait3A_471 = arith.constant 22 : i32
    %dma_wait3A_472 = arith.constant 256 : i32
    %dma_wait3A_473 = arith.constant 0 : i32
    %dma_wait3A_474 = tpu.memref_slice %arg6[%dma_wait3A_472, %dma_wait3A_473] : memref<512x32xf32, #tpu.memory_space<vmem>> -> memref<128x32xf32, #tpu.memory_space<vmem>>
    %dma_wait3A_475 = arith.constant 0 : i32
    %dma_wait3A_476 = tpu.memref_slice %arg5[%dma_wait3A_471, %dma_wait3A_475] : memref<32x128xi32, #tpu.memory_space<vmem>> -> memref<1x128xi32, #tpu.memory_space<vmem>>
    %dma_wait3A_477 = tpu.memref_squeeze %dma_wait3A_476 : memref<1x128xi32, #tpu.memory_space<vmem>> -> memref<128xi32, #tpu.memory_space<vmem>>
    %dma_wait3A_478 = arith.constant 0 : i32
    %dma_wait3A_479 = arith.constant 0 : i32
    %dma_wait3A_480 = tpu.memref_slice %arg2[%dma_wait3A_478, %dma_wait3A_479] : memref<131072x32xf32, #tpu.memory_space<hbm>> -> memref<131072x32xf32, #tpu.memory_space<hbm>>
    tpu.wait_indirect_dma semaphore(%arg7 : memref<!tpu.dma_semaphore, #tpu.memory_space<semaphore_mem>>) src(%dma_wait3A_480 : memref<131072x32xf32, #tpu.memory_space<hbm>>) dst(%dma_wait3A_474 : memref<128x32xf32, #tpu.memory_space<vmem>>)
    %dma_wait3A_481 = arith.constant 23 : i32
    %dma_wait3A_482 = arith.constant 384 : i32
    %dma_wait3A_483 = arith.constant 0 : i32
    %dma_wait3A_484 = tpu.memref_slice %arg6[%dma_wait3A_482, %dma_wait3A_483] : memref<512x32xf32, #tpu.memory_space<vmem>> -> memref<128x32xf32, #tpu.memory_space<vmem>>
    %dma_wait3A_485 = arith.constant 0 : i32
    %dma_wait3A_486 = tpu.memref_slice %arg5[%dma_wait3A_481, %dma_wait3A_485] : memref<32x128xi32, #tpu.memory_space<vmem>> -> memref<1x128xi32, #tpu.memory_space<vmem>>
    %dma_wait3A_487 = tpu.memref_squeeze %dma_wait3A_486 : memref<1x128xi32, #tpu.memory_space<vmem>> -> memref<128xi32, #tpu.memory_space<vmem>>
    %dma_wait3A_488 = arith.constant 0 : i32
    %dma_wait3A_489 = arith.constant 0 : i32
    %dma_wait3A_490 = tpu.memref_slice %arg2[%dma_wait3A_488, %dma_wait3A_489] : memref<131072x32xf32, #tpu.memory_space<hbm>> -> memref<131072x32xf32, #tpu.memory_space<hbm>>
    tpu.wait_indirect_dma semaphore(%arg7 : memref<!tpu.dma_semaphore, #tpu.memory_space<semaphore_mem>>) src(%dma_wait3A_490 : memref<131072x32xf32, #tpu.memory_space<hbm>>) dst(%dma_wait3A_484 : memref<128x32xf32, #tpu.memory_space<vmem>>)
    %add3A_491 = arith.constant 2560 : i32
    %add3A_492 = arith.addi %mul3A_2, %add3A_491 : i32
    "tpu.region"() ({
      %run_scoped3A = tpu.sem_alloc : memref<!tpu.dma_semaphore, #tpu.memory_space<semaphore_mem>>
      %dma_start3A_657 = arith.constant 0 : i32
      %dma_start3A_658 = tpu.memref_slice %arg4[%add3A_492, %dma_start3A_657] : memref<131072x32xf32, #tpu.memory_space<hbm>> -> memref<512x32xf32, #tpu.memory_space<hbm>>
      %dma_start3A_659 = arith.constant 0 : i32
      %dma_start3A_660 = tpu.memref_slice %arg4[%add3A_492, %dma_start3A_659] : memref<131072x32xf32, #tpu.memory_space<hbm>> -> memref<512x32xf32, #tpu.memory_space<hbm>>
      tpu.enqueue_dma source(%arg6 : memref<512x32xf32, #tpu.memory_space<vmem>>) target(%dma_start3A_660 : memref<512x32xf32, #tpu.memory_space<hbm>>) target_semaphore(%run_scoped3A : memref<!tpu.dma_semaphore, #tpu.memory_space<semaphore_mem>>)
      %dma_wait3A_661 = arith.constant 0 : i32
      %dma_wait3A_662 = tpu.memref_slice %arg4[%add3A_492, %dma_wait3A_661] : memref<131072x32xf32, #tpu.memory_space<hbm>> -> memref<512x32xf32, #tpu.memory_space<hbm>>
      %dma_wait3A_663 = arith.constant 0 : i32
      %dma_wait3A_664 = tpu.memref_slice %arg4[%add3A_492, %dma_wait3A_663] : memref<131072x32xf32, #tpu.memory_space<hbm>> -> memref<512x32xf32, #tpu.memory_space<hbm>>
      tpu.wait_dma2 semaphore(%run_scoped3A : memref<!tpu.dma_semaphore, #tpu.memory_space<semaphore_mem>>) src(%arg6 : memref<512x32xf32, #tpu.memory_space<vmem>>) dst(%dma_wait3A_664 : memref<512x32xf32, #tpu.memory_space<hbm>>)
      tpu.yield
    }) : () -> ()
    %dma_start3A_493 = arith.constant 24 : i32
    %dma_start3A_494 = arith.constant 0 : i32
    %dma_start3A_495 = arith.constant 0 : i32
    %dma_start3A_496 = tpu.memref_slice %arg6[%dma_start3A_494, %dma_start3A_495] : memref<512x32xf32, #tpu.memory_space<vmem>> -> memref<128x32xf32, #tpu.memory_space<vmem>>
    %dma_start3A_497 = arith.constant 0 : i32
    %dma_start3A_498 = tpu.memref_slice %arg5[%dma_start3A_493, %dma_start3A_497] : memref<32x128xi32, #tpu.memory_space<vmem>> -> memref<1x128xi32, #tpu.memory_space<vmem>>
    %dma_start3A_499 = tpu.memref_squeeze %dma_start3A_498 : memref<1x128xi32, #tpu.memory_space<vmem>> -> memref<128xi32, #tpu.memory_space<vmem>>
    %dma_start3A_500 = arith.constant 0 : i32
    %dma_start3A_501 = arith.constant 0 : i32
    %dma_start3A_502 = tpu.memref_slice %arg2[%dma_start3A_500, %dma_start3A_501] : memref<131072x32xf32, #tpu.memory_space<hbm>> -> memref<131072x32xf32, #tpu.memory_space<hbm>>
    tpu.enqueue_indirect_dma source(%dma_start3A_502 : memref<131072x32xf32, #tpu.memory_space<hbm>>) target(%dma_start3A_496 : memref<128x32xf32, #tpu.memory_space<vmem>>) offsets(%dma_start3A_499 : memref<128xi32, #tpu.memory_space<vmem>>) semaphore(%arg7 : memref<!tpu.dma_semaphore, #tpu.memory_space<semaphore_mem>>)
    %dma_start3A_503 = arith.constant 25 : i32
    %dma_start3A_504 = arith.constant 128 : i32
    %dma_start3A_505 = arith.constant 0 : i32
    %dma_start3A_506 = tpu.memref_slice %arg6[%dma_start3A_504, %dma_start3A_505] : memref<512x32xf32, #tpu.memory_space<vmem>> -> memref<128x32xf32, #tpu.memory_space<vmem>>
    %dma_start3A_507 = arith.constant 0 : i32
    %dma_start3A_508 = tpu.memref_slice %arg5[%dma_start3A_503, %dma_start3A_507] : memref<32x128xi32, #tpu.memory_space<vmem>> -> memref<1x128xi32, #tpu.memory_space<vmem>>
    %dma_start3A_509 = tpu.memref_squeeze %dma_start3A_508 : memref<1x128xi32, #tpu.memory_space<vmem>> -> memref<128xi32, #tpu.memory_space<vmem>>
    %dma_start3A_510 = arith.constant 0 : i32
    %dma_start3A_511 = arith.constant 0 : i32
    %dma_start3A_512 = tpu.memref_slice %arg2[%dma_start3A_510, %dma_start3A_511] : memref<131072x32xf32, #tpu.memory_space<hbm>> -> memref<131072x32xf32, #tpu.memory_space<hbm>>
    tpu.enqueue_indirect_dma source(%dma_start3A_512 : memref<131072x32xf32, #tpu.memory_space<hbm>>) target(%dma_start3A_506 : memref<128x32xf32, #tpu.memory_space<vmem>>) offsets(%dma_start3A_509 : memref<128xi32, #tpu.memory_space<vmem>>) semaphore(%arg7 : memref<!tpu.dma_semaphore, #tpu.memory_space<semaphore_mem>>)
    %dma_start3A_513 = arith.constant 26 : i32
    %dma_start3A_514 = arith.constant 256 : i32
    %dma_start3A_515 = arith.constant 0 : i32
    %dma_start3A_516 = tpu.memref_slice %arg6[%dma_start3A_514, %dma_start3A_515] : memref<512x32xf32, #tpu.memory_space<vmem>> -> memref<128x32xf32, #tpu.memory_space<vmem>>
    %dma_start3A_517 = arith.constant 0 : i32
    %dma_start3A_518 = tpu.memref_slice %arg5[%dma_start3A_513, %dma_start3A_517] : memref<32x128xi32, #tpu.memory_space<vmem>> -> memref<1x128xi32, #tpu.memory_space<vmem>>
    %dma_start3A_519 = tpu.memref_squeeze %dma_start3A_518 : memref<1x128xi32, #tpu.memory_space<vmem>> -> memref<128xi32, #tpu.memory_space<vmem>>
    %dma_start3A_520 = arith.constant 0 : i32
    %dma_start3A_521 = arith.constant 0 : i32
    %dma_start3A_522 = tpu.memref_slice %arg2[%dma_start3A_520, %dma_start3A_521] : memref<131072x32xf32, #tpu.memory_space<hbm>> -> memref<131072x32xf32, #tpu.memory_space<hbm>>
    tpu.enqueue_indirect_dma source(%dma_start3A_522 : memref<131072x32xf32, #tpu.memory_space<hbm>>) target(%dma_start3A_516 : memref<128x32xf32, #tpu.memory_space<vmem>>) offsets(%dma_start3A_519 : memref<128xi32, #tpu.memory_space<vmem>>) semaphore(%arg7 : memref<!tpu.dma_semaphore, #tpu.memory_space<semaphore_mem>>)
    %dma_start3A_523 = arith.constant 27 : i32
    %dma_start3A_524 = arith.constant 384 : i32
    %dma_start3A_525 = arith.constant 0 : i32
    %dma_start3A_526 = tpu.memref_slice %arg6[%dma_start3A_524, %dma_start3A_525] : memref<512x32xf32, #tpu.memory_space<vmem>> -> memref<128x32xf32, #tpu.memory_space<vmem>>
    %dma_start3A_527 = arith.constant 0 : i32
    %dma_start3A_528 = tpu.memref_slice %arg5[%dma_start3A_523, %dma_start3A_527] : memref<32x128xi32, #tpu.memory_space<vmem>> -> memref<1x128xi32, #tpu.memory_space<vmem>>
    %dma_start3A_529 = tpu.memref_squeeze %dma_start3A_528 : memref<1x128xi32, #tpu.memory_space<vmem>> -> memref<128xi32, #tpu.memory_space<vmem>>
    %dma_start3A_530 = arith.constant 0 : i32
    %dma_start3A_531 = arith.constant 0 : i32
    %dma_start3A_532 = tpu.memref_slice %arg2[%dma_start3A_530, %dma_start3A_531] : memref<131072x32xf32, #tpu.memory_space<hbm>> -> memref<131072x32xf32, #tpu.memory_space<hbm>>
    tpu.enqueue_indirect_dma source(%dma_start3A_532 : memref<131072x32xf32, #tpu.memory_space<hbm>>) target(%dma_start3A_526 : memref<128x32xf32, #tpu.memory_space<vmem>>) offsets(%dma_start3A_529 : memref<128xi32, #tpu.memory_space<vmem>>) semaphore(%arg7 : memref<!tpu.dma_semaphore, #tpu.memory_space<semaphore_mem>>)
    %dma_wait3A_533 = arith.constant 24 : i32
    %dma_wait3A_534 = arith.constant 0 : i32
    %dma_wait3A_535 = arith.constant 0 : i32
    %dma_wait3A_536 = tpu.memref_slice %arg6[%dma_wait3A_534, %dma_wait3A_535] : memref<512x32xf32, #tpu.memory_space<vmem>> -> memref<128x32xf32, #tpu.memory_space<vmem>>
    %dma_wait3A_537 = arith.constant 0 : i32
    %dma_wait3A_538 = tpu.memref_slice %arg5[%dma_wait3A_533, %dma_wait3A_537] : memref<32x128xi32, #tpu.memory_space<vmem>> -> memref<1x128xi32, #tpu.memory_space<vmem>>
    %dma_wait3A_539 = tpu.memref_squeeze %dma_wait3A_538 : memref<1x128xi32, #tpu.memory_space<vmem>> -> memref<128xi32, #tpu.memory_space<vmem>>
    %dma_wait3A_540 = arith.constant 0 : i32
    %dma_wait3A_541 = arith.constant 0 : i32
    %dma_wait3A_542 = tpu.memref_slice %arg2[%dma_wait3A_540, %dma_wait3A_541] : memref<131072x32xf32, #tpu.memory_space<hbm>> -> memref<131072x32xf32, #tpu.memory_space<hbm>>
    tpu.wait_indirect_dma semaphore(%arg7 : memref<!tpu.dma_semaphore, #tpu.memory_space<semaphore_mem>>) src(%dma_wait3A_542 : memref<131072x32xf32, #tpu.memory_space<hbm>>) dst(%dma_wait3A_536 : memref<128x32xf32, #tpu.memory_space<vmem>>)
    %dma_wait3A_543 = arith.constant 25 : i32
    %dma_wait3A_544 = arith.constant 128 : i32
    %dma_wait3A_545 = arith.constant 0 : i32
    %dma_wait3A_546 = tpu.memref_slice %arg6[%dma_wait3A_544, %dma_wait3A_545] : memref<512x32xf32, #tpu.memory_space<vmem>> -> memref<128x32xf32, #tpu.memory_space<vmem>>
    %dma_wait3A_547 = arith.constant 0 : i32
    %dma_wait3A_548 = tpu.memref_slice %arg5[%dma_wait3A_543, %dma_wait3A_547] : memref<32x128xi32, #tpu.memory_space<vmem>> -> memref<1x128xi32, #tpu.memory_space<vmem>>
    %dma_wait3A_549 = tpu.memref_squeeze %dma_wait3A_548 : memref<1x128xi32, #tpu.memory_space<vmem>> -> memref<128xi32, #tpu.memory_space<vmem>>
    %dma_wait3A_550 = arith.constant 0 : i32
    %dma_wait3A_551 = arith.constant 0 : i32
    %dma_wait3A_552 = tpu.memref_slice %arg2[%dma_wait3A_550, %dma_wait3A_551] : memref<131072x32xf32, #tpu.memory_space<hbm>> -> memref<131072x32xf32, #tpu.memory_space<hbm>>
    tpu.wait_indirect_dma semaphore(%arg7 : memref<!tpu.dma_semaphore, #tpu.memory_space<semaphore_mem>>) src(%dma_wait3A_552 : memref<131072x32xf32, #tpu.memory_space<hbm>>) dst(%dma_wait3A_546 : memref<128x32xf32, #tpu.memory_space<vmem>>)
    %dma_wait3A_553 = arith.constant 26 : i32
    %dma_wait3A_554 = arith.constant 256 : i32
    %dma_wait3A_555 = arith.constant 0 : i32
    %dma_wait3A_556 = tpu.memref_slice %arg6[%dma_wait3A_554, %dma_wait3A_555] : memref<512x32xf32, #tpu.memory_space<vmem>> -> memref<128x32xf32, #tpu.memory_space<vmem>>
    %dma_wait3A_557 = arith.constant 0 : i32
    %dma_wait3A_558 = tpu.memref_slice %arg5[%dma_wait3A_553, %dma_wait3A_557] : memref<32x128xi32, #tpu.memory_space<vmem>> -> memref<1x128xi32, #tpu.memory_space<vmem>>
    %dma_wait3A_559 = tpu.memref_squeeze %dma_wait3A_558 : memref<1x128xi32, #tpu.memory_space<vmem>> -> memref<128xi32, #tpu.memory_space<vmem>>
    %dma_wait3A_560 = arith.constant 0 : i32
    %dma_wait3A_561 = arith.constant 0 : i32
    %dma_wait3A_562 = tpu.memref_slice %arg2[%dma_wait3A_560, %dma_wait3A_561] : memref<131072x32xf32, #tpu.memory_space<hbm>> -> memref<131072x32xf32, #tpu.memory_space<hbm>>
    tpu.wait_indirect_dma semaphore(%arg7 : memref<!tpu.dma_semaphore, #tpu.memory_space<semaphore_mem>>) src(%dma_wait3A_562 : memref<131072x32xf32, #tpu.memory_space<hbm>>) dst(%dma_wait3A_556 : memref<128x32xf32, #tpu.memory_space<vmem>>)
    %dma_wait3A_563 = arith.constant 27 : i32
    %dma_wait3A_564 = arith.constant 384 : i32
    %dma_wait3A_565 = arith.constant 0 : i32
    %dma_wait3A_566 = tpu.memref_slice %arg6[%dma_wait3A_564, %dma_wait3A_565] : memref<512x32xf32, #tpu.memory_space<vmem>> -> memref<128x32xf32, #tpu.memory_space<vmem>>
    %dma_wait3A_567 = arith.constant 0 : i32
    %dma_wait3A_568 = tpu.memref_slice %arg5[%dma_wait3A_563, %dma_wait3A_567] : memref<32x128xi32, #tpu.memory_space<vmem>> -> memref<1x128xi32, #tpu.memory_space<vmem>>
    %dma_wait3A_569 = tpu.memref_squeeze %dma_wait3A_568 : memref<1x128xi32, #tpu.memory_space<vmem>> -> memref<128xi32, #tpu.memory_space<vmem>>
    %dma_wait3A_570 = arith.constant 0 : i32
    %dma_wait3A_571 = arith.constant 0 : i32
    %dma_wait3A_572 = tpu.memref_slice %arg2[%dma_wait3A_570, %dma_wait3A_571] : memref<131072x32xf32, #tpu.memory_space<hbm>> -> memref<131072x32xf32, #tpu.memory_space<hbm>>
    tpu.wait_indirect_dma semaphore(%arg7 : memref<!tpu.dma_semaphore, #tpu.memory_space<semaphore_mem>>) src(%dma_wait3A_572 : memref<131072x32xf32, #tpu.memory_space<hbm>>) dst(%dma_wait3A_566 : memref<128x32xf32, #tpu.memory_space<vmem>>)
    %add3A_573 = arith.constant 3072 : i32
    %add3A_574 = arith.addi %mul3A_2, %add3A_573 : i32
    "tpu.region"() ({
      %run_scoped3A = tpu.sem_alloc : memref<!tpu.dma_semaphore, #tpu.memory_space<semaphore_mem>>
      %dma_start3A_657 = arith.constant 0 : i32
      %dma_start3A_658 = tpu.memref_slice %arg4[%add3A_574, %dma_start3A_657] : memref<131072x32xf32, #tpu.memory_space<hbm>> -> memref<512x32xf32, #tpu.memory_space<hbm>>
      %dma_start3A_659 = arith.constant 0 : i32
      %dma_start3A_660 = tpu.memref_slice %arg4[%add3A_574, %dma_start3A_659] : memref<131072x32xf32, #tpu.memory_space<hbm>> -> memref<512x32xf32, #tpu.memory_space<hbm>>
      tpu.enqueue_dma source(%arg6 : memref<512x32xf32, #tpu.memory_space<vmem>>) target(%dma_start3A_660 : memref<512x32xf32, #tpu.memory_space<hbm>>) target_semaphore(%run_scoped3A : memref<!tpu.dma_semaphore, #tpu.memory_space<semaphore_mem>>)
      %dma_wait3A_661 = arith.constant 0 : i32
      %dma_wait3A_662 = tpu.memref_slice %arg4[%add3A_574, %dma_wait3A_661] : memref<131072x32xf32, #tpu.memory_space<hbm>> -> memref<512x32xf32, #tpu.memory_space<hbm>>
      %dma_wait3A_663 = arith.constant 0 : i32
      %dma_wait3A_664 = tpu.memref_slice %arg4[%add3A_574, %dma_wait3A_663] : memref<131072x32xf32, #tpu.memory_space<hbm>> -> memref<512x32xf32, #tpu.memory_space<hbm>>
      tpu.wait_dma2 semaphore(%run_scoped3A : memref<!tpu.dma_semaphore, #tpu.memory_space<semaphore_mem>>) src(%arg6 : memref<512x32xf32, #tpu.memory_space<vmem>>) dst(%dma_wait3A_664 : memref<512x32xf32, #tpu.memory_space<hbm>>)
      tpu.yield
    }) : () -> ()
    %dma_start3A_575 = arith.constant 28 : i32
    %dma_start3A_576 = arith.constant 0 : i32
    %dma_start3A_577 = arith.constant 0 : i32
    %dma_start3A_578 = tpu.memref_slice %arg6[%dma_start3A_576, %dma_start3A_577] : memref<512x32xf32, #tpu.memory_space<vmem>> -> memref<128x32xf32, #tpu.memory_space<vmem>>
    %dma_start3A_579 = arith.constant 0 : i32
    %dma_start3A_580 = tpu.memref_slice %arg5[%dma_start3A_575, %dma_start3A_579] : memref<32x128xi32, #tpu.memory_space<vmem>> -> memref<1x128xi32, #tpu.memory_space<vmem>>
    %dma_start3A_581 = tpu.memref_squeeze %dma_start3A_580 : memref<1x128xi32, #tpu.memory_space<vmem>> -> memref<128xi32, #tpu.memory_space<vmem>>
    %dma_start3A_582 = arith.constant 0 : i32
    %dma_start3A_583 = arith.constant 0 : i32
    %dma_start3A_584 = tpu.memref_slice %arg2[%dma_start3A_582, %dma_start3A_583] : memref<131072x32xf32, #tpu.memory_space<hbm>> -> memref<131072x32xf32, #tpu.memory_space<hbm>>
    tpu.enqueue_indirect_dma source(%dma_start3A_584 : memref<131072x32xf32, #tpu.memory_space<hbm>>) target(%dma_start3A_578 : memref<128x32xf32, #tpu.memory_space<vmem>>) offsets(%dma_start3A_581 : memref<128xi32, #tpu.memory_space<vmem>>) semaphore(%arg7 : memref<!tpu.dma_semaphore, #tpu.memory_space<semaphore_mem>>)
    %dma_start3A_585 = arith.constant 29 : i32
    %dma_start3A_586 = arith.constant 128 : i32
    %dma_start3A_587 = arith.constant 0 : i32
    %dma_start3A_588 = tpu.memref_slice %arg6[%dma_start3A_586, %dma_start3A_587] : memref<512x32xf32, #tpu.memory_space<vmem>> -> memref<128x32xf32, #tpu.memory_space<vmem>>
    %dma_start3A_589 = arith.constant 0 : i32
    %dma_start3A_590 = tpu.memref_slice %arg5[%dma_start3A_585, %dma_start3A_589] : memref<32x128xi32, #tpu.memory_space<vmem>> -> memref<1x128xi32, #tpu.memory_space<vmem>>
    %dma_start3A_591 = tpu.memref_squeeze %dma_start3A_590 : memref<1x128xi32, #tpu.memory_space<vmem>> -> memref<128xi32, #tpu.memory_space<vmem>>
    %dma_start3A_592 = arith.constant 0 : i32
    %dma_start3A_593 = arith.constant 0 : i32
    %dma_start3A_594 = tpu.memref_slice %arg2[%dma_start3A_592, %dma_start3A_593] : memref<131072x32xf32, #tpu.memory_space<hbm>> -> memref<131072x32xf32, #tpu.memory_space<hbm>>
    tpu.enqueue_indirect_dma source(%dma_start3A_594 : memref<131072x32xf32, #tpu.memory_space<hbm>>) target(%dma_start3A_588 : memref<128x32xf32, #tpu.memory_space<vmem>>) offsets(%dma_start3A_591 : memref<128xi32, #tpu.memory_space<vmem>>) semaphore(%arg7 : memref<!tpu.dma_semaphore, #tpu.memory_space<semaphore_mem>>)
    %dma_start3A_595 = arith.constant 30 : i32
    %dma_start3A_596 = arith.constant 256 : i32
    %dma_start3A_597 = arith.constant 0 : i32
    %dma_start3A_598 = tpu.memref_slice %arg6[%dma_start3A_596, %dma_start3A_597] : memref<512x32xf32, #tpu.memory_space<vmem>> -> memref<128x32xf32, #tpu.memory_space<vmem>>
    %dma_start3A_599 = arith.constant 0 : i32
    %dma_start3A_600 = tpu.memref_slice %arg5[%dma_start3A_595, %dma_start3A_599] : memref<32x128xi32, #tpu.memory_space<vmem>> -> memref<1x128xi32, #tpu.memory_space<vmem>>
    %dma_start3A_601 = tpu.memref_squeeze %dma_start3A_600 : memref<1x128xi32, #tpu.memory_space<vmem>> -> memref<128xi32, #tpu.memory_space<vmem>>
    %dma_start3A_602 = arith.constant 0 : i32
    %dma_start3A_603 = arith.constant 0 : i32
    %dma_start3A_604 = tpu.memref_slice %arg2[%dma_start3A_602, %dma_start3A_603] : memref<131072x32xf32, #tpu.memory_space<hbm>> -> memref<131072x32xf32, #tpu.memory_space<hbm>>
    tpu.enqueue_indirect_dma source(%dma_start3A_604 : memref<131072x32xf32, #tpu.memory_space<hbm>>) target(%dma_start3A_598 : memref<128x32xf32, #tpu.memory_space<vmem>>) offsets(%dma_start3A_601 : memref<128xi32, #tpu.memory_space<vmem>>) semaphore(%arg7 : memref<!tpu.dma_semaphore, #tpu.memory_space<semaphore_mem>>)
    %dma_start3A_605 = arith.constant 31 : i32
    %dma_start3A_606 = arith.constant 384 : i32
    %dma_start3A_607 = arith.constant 0 : i32
    %dma_start3A_608 = tpu.memref_slice %arg6[%dma_start3A_606, %dma_start3A_607] : memref<512x32xf32, #tpu.memory_space<vmem>> -> memref<128x32xf32, #tpu.memory_space<vmem>>
    %dma_start3A_609 = arith.constant 0 : i32
    %dma_start3A_610 = tpu.memref_slice %arg5[%dma_start3A_605, %dma_start3A_609] : memref<32x128xi32, #tpu.memory_space<vmem>> -> memref<1x128xi32, #tpu.memory_space<vmem>>
    %dma_start3A_611 = tpu.memref_squeeze %dma_start3A_610 : memref<1x128xi32, #tpu.memory_space<vmem>> -> memref<128xi32, #tpu.memory_space<vmem>>
    %dma_start3A_612 = arith.constant 0 : i32
    %dma_start3A_613 = arith.constant 0 : i32
    %dma_start3A_614 = tpu.memref_slice %arg2[%dma_start3A_612, %dma_start3A_613] : memref<131072x32xf32, #tpu.memory_space<hbm>> -> memref<131072x32xf32, #tpu.memory_space<hbm>>
    tpu.enqueue_indirect_dma source(%dma_start3A_614 : memref<131072x32xf32, #tpu.memory_space<hbm>>) target(%dma_start3A_608 : memref<128x32xf32, #tpu.memory_space<vmem>>) offsets(%dma_start3A_611 : memref<128xi32, #tpu.memory_space<vmem>>) semaphore(%arg7 : memref<!tpu.dma_semaphore, #tpu.memory_space<semaphore_mem>>)
    %dma_wait3A_615 = arith.constant 28 : i32
    %dma_wait3A_616 = arith.constant 0 : i32
    %dma_wait3A_617 = arith.constant 0 : i32
    %dma_wait3A_618 = tpu.memref_slice %arg6[%dma_wait3A_616, %dma_wait3A_617] : memref<512x32xf32, #tpu.memory_space<vmem>> -> memref<128x32xf32, #tpu.memory_space<vmem>>
    %dma_wait3A_619 = arith.constant 0 : i32
    %dma_wait3A_620 = tpu.memref_slice %arg5[%dma_wait3A_615, %dma_wait3A_619] : memref<32x128xi32, #tpu.memory_space<vmem>> -> memref<1x128xi32, #tpu.memory_space<vmem>>
    %dma_wait3A_621 = tpu.memref_squeeze %dma_wait3A_620 : memref<1x128xi32, #tpu.memory_space<vmem>> -> memref<128xi32, #tpu.memory_space<vmem>>
    %dma_wait3A_622 = arith.constant 0 : i32
    %dma_wait3A_623 = arith.constant 0 : i32
    %dma_wait3A_624 = tpu.memref_slice %arg2[%dma_wait3A_622, %dma_wait3A_623] : memref<131072x32xf32, #tpu.memory_space<hbm>> -> memref<131072x32xf32, #tpu.memory_space<hbm>>
    tpu.wait_indirect_dma semaphore(%arg7 : memref<!tpu.dma_semaphore, #tpu.memory_space<semaphore_mem>>) src(%dma_wait3A_624 : memref<131072x32xf32, #tpu.memory_space<hbm>>) dst(%dma_wait3A_618 : memref<128x32xf32, #tpu.memory_space<vmem>>)
    %dma_wait3A_625 = arith.constant 29 : i32
    %dma_wait3A_626 = arith.constant 128 : i32
    %dma_wait3A_627 = arith.constant 0 : i32
    %dma_wait3A_628 = tpu.memref_slice %arg6[%dma_wait3A_626, %dma_wait3A_627] : memref<512x32xf32, #tpu.memory_space<vmem>> -> memref<128x32xf32, #tpu.memory_space<vmem>>
    %dma_wait3A_629 = arith.constant 0 : i32
    %dma_wait3A_630 = tpu.memref_slice %arg5[%dma_wait3A_625, %dma_wait3A_629] : memref<32x128xi32, #tpu.memory_space<vmem>> -> memref<1x128xi32, #tpu.memory_space<vmem>>
    %dma_wait3A_631 = tpu.memref_squeeze %dma_wait3A_630 : memref<1x128xi32, #tpu.memory_space<vmem>> -> memref<128xi32, #tpu.memory_space<vmem>>
    %dma_wait3A_632 = arith.constant 0 : i32
    %dma_wait3A_633 = arith.constant 0 : i32
    %dma_wait3A_634 = tpu.memref_slice %arg2[%dma_wait3A_632, %dma_wait3A_633] : memref<131072x32xf32, #tpu.memory_space<hbm>> -> memref<131072x32xf32, #tpu.memory_space<hbm>>
    tpu.wait_indirect_dma semaphore(%arg7 : memref<!tpu.dma_semaphore, #tpu.memory_space<semaphore_mem>>) src(%dma_wait3A_634 : memref<131072x32xf32, #tpu.memory_space<hbm>>) dst(%dma_wait3A_628 : memref<128x32xf32, #tpu.memory_space<vmem>>)
    %dma_wait3A_635 = arith.constant 30 : i32
    %dma_wait3A_636 = arith.constant 256 : i32
    %dma_wait3A_637 = arith.constant 0 : i32
    %dma_wait3A_638 = tpu.memref_slice %arg6[%dma_wait3A_636, %dma_wait3A_637] : memref<512x32xf32, #tpu.memory_space<vmem>> -> memref<128x32xf32, #tpu.memory_space<vmem>>
    %dma_wait3A_639 = arith.constant 0 : i32
    %dma_wait3A_640 = tpu.memref_slice %arg5[%dma_wait3A_635, %dma_wait3A_639] : memref<32x128xi32, #tpu.memory_space<vmem>> -> memref<1x128xi32, #tpu.memory_space<vmem>>
    %dma_wait3A_641 = tpu.memref_squeeze %dma_wait3A_640 : memref<1x128xi32, #tpu.memory_space<vmem>> -> memref<128xi32, #tpu.memory_space<vmem>>
    %dma_wait3A_642 = arith.constant 0 : i32
    %dma_wait3A_643 = arith.constant 0 : i32
    %dma_wait3A_644 = tpu.memref_slice %arg2[%dma_wait3A_642, %dma_wait3A_643] : memref<131072x32xf32, #tpu.memory_space<hbm>> -> memref<131072x32xf32, #tpu.memory_space<hbm>>
    tpu.wait_indirect_dma semaphore(%arg7 : memref<!tpu.dma_semaphore, #tpu.memory_space<semaphore_mem>>) src(%dma_wait3A_644 : memref<131072x32xf32, #tpu.memory_space<hbm>>) dst(%dma_wait3A_638 : memref<128x32xf32, #tpu.memory_space<vmem>>)
    %dma_wait3A_645 = arith.constant 31 : i32
    %dma_wait3A_646 = arith.constant 384 : i32
    %dma_wait3A_647 = arith.constant 0 : i32
    %dma_wait3A_648 = tpu.memref_slice %arg6[%dma_wait3A_646, %dma_wait3A_647] : memref<512x32xf32, #tpu.memory_space<vmem>> -> memref<128x32xf32, #tpu.memory_space<vmem>>
    %dma_wait3A_649 = arith.constant 0 : i32
    %dma_wait3A_650 = tpu.memref_slice %arg5[%dma_wait3A_645, %dma_wait3A_649] : memref<32x128xi32, #tpu.memory_space<vmem>> -> memref<1x128xi32, #tpu.memory_space<vmem>>
    %dma_wait3A_651 = tpu.memref_squeeze %dma_wait3A_650 : memref<1x128xi32, #tpu.memory_space<vmem>> -> memref<128xi32, #tpu.memory_space<vmem>>
    %dma_wait3A_652 = arith.constant 0 : i32
    %dma_wait3A_653 = arith.constant 0 : i32
    %dma_wait3A_654 = tpu.memref_slice %arg2[%dma_wait3A_652, %dma_wait3A_653] : memref<131072x32xf32, #tpu.memory_space<hbm>> -> memref<131072x32xf32, #tpu.memory_space<hbm>>
    tpu.wait_indirect_dma semaphore(%arg7 : memref<!tpu.dma_semaphore, #tpu.memory_space<semaphore_mem>>) src(%dma_wait3A_654 : memref<131072x32xf32, #tpu.memory_space<hbm>>) dst(%dma_wait3A_648 : memref<128x32xf32, #tpu.memory_space<vmem>>)
    %add3A_655 = arith.constant 3584 : i32
    %add3A_656 = arith.addi %mul3A_2, %add3A_655 : i32
    "tpu.region"() ({
      %run_scoped3A = tpu.sem_alloc : memref<!tpu.dma_semaphore, #tpu.memory_space<semaphore_mem>>
      %dma_start3A_657 = arith.constant 0 : i32
      %dma_start3A_658 = tpu.memref_slice %arg4[%add3A_656, %dma_start3A_657] : memref<131072x32xf32, #tpu.memory_space<hbm>> -> memref<512x32xf32, #tpu.memory_space<hbm>>
      %dma_start3A_659 = arith.constant 0 : i32
      %dma_start3A_660 = tpu.memref_slice %arg4[%add3A_656, %dma_start3A_659] : memref<131072x32xf32, #tpu.memory_space<hbm>> -> memref<512x32xf32, #tpu.memory_space<hbm>>
      tpu.enqueue_dma source(%arg6 : memref<512x32xf32, #tpu.memory_space<vmem>>) target(%dma_start3A_660 : memref<512x32xf32, #tpu.memory_space<hbm>>) target_semaphore(%run_scoped3A : memref<!tpu.dma_semaphore, #tpu.memory_space<semaphore_mem>>)
      %dma_wait3A_661 = arith.constant 0 : i32
      %dma_wait3A_662 = tpu.memref_slice %arg4[%add3A_656, %dma_wait3A_661] : memref<131072x32xf32, #tpu.memory_space<hbm>> -> memref<512x32xf32, #tpu.memory_space<hbm>>
      %dma_wait3A_663 = arith.constant 0 : i32
      %dma_wait3A_664 = tpu.memref_slice %arg4[%add3A_656, %dma_wait3A_663] : memref<131072x32xf32, #tpu.memory_space<hbm>> -> memref<512x32xf32, #tpu.memory_space<hbm>>
      tpu.wait_dma2 semaphore(%run_scoped3A : memref<!tpu.dma_semaphore, #tpu.memory_space<semaphore_mem>>) src(%arg6 : memref<512x32xf32, #tpu.memory_space<vmem>>) dst(%dma_wait3A_664 : memref<512x32xf32, #tpu.memory_space<hbm>>)
      tpu.yield
    }) : () -> ()
    return
  }
}

module attributes {stable_mosaic.version = 14 : i64} {
  func.func @_prep_body(%arg0: i32, %arg1: memref<256x1280xf32, #tpu.memory_space<vmem>>, %arg2: memref<256x256xf32, #tpu.memory_space<vmem>>, %arg3: memref<2x16xf32, #tpu.memory_space<vmem>>) attributes {dimension_semantics = [#tpu.dimension_semantics<arbitrary>], iteration_bounds = array<i64: 64>, scalar_prefetch = 0 : i64, scratch_operands = 0 : i64, tpu.core_type = #tpu.core_type<tc>, window_params = [{transform_indices = @transform_0, window_bounds = array<i64: 256, 1280>}, {transform_indices = @transform_1, window_bounds = array<i64: 256, 256>}, {pipeline_mode = #tpu.pipeline_mode<synchronous>, transform_indices = @transform_2, window_bounds = array<i64: 2, 16>}]} {
    %get3A = arith.constant 0 : index
    %get3A_0 = arith.constant 0 : index
    %get3A_1 = vector.load %arg1[%get3A, %get3A_0] : memref<256x1280xf32, #tpu.memory_space<vmem>>, vector<256x1280xf32>
    %reshape3A = vector.shape_cast %get3A_1 : vector<256x1280xf32> to vector<256x20x64xf32>
    %slice3A = vector.extract_strided_slice %reshape3A {offsets = [0, 0, 0], sizes = [256, 20, 8], strides = [1, 1, 1]} : vector<256x20x64xf32> to vector<256x20x8xf32>
    %transpose3A = tpu.transpose %slice3A, [0, 2, 1] : vector<256x20x8xf32> -> vector<256x8x20xf32>
    %broadcast_in_dim3A = arith.constant 0.000000e+00 : f32
    %broadcast_in_dim3A_2 = vector.broadcast %broadcast_in_dim3A : f32 to vector<256x8x12xf32>
    %concatenate3A = tpu.concatenate %transpose3A, %broadcast_in_dim3A_2 in 2 : vector<256x8x20xf32>, vector<256x8x12xf32> -> vector<256x8x32xf32>
    %reshape3A_3 = vector.shape_cast %concatenate3A : vector<256x8x32xf32> to vector<256x256xf32>
    %swap3A = arith.constant 0 : index
    %swap3A_4 = arith.constant 0 : index
    %swap3A_5 = vector.load %arg2[%swap3A, %swap3A_4] : memref<256x256xf32, #tpu.memory_space<vmem>>, vector<256x256xf32>
    tpu.vector_store %arg2[%swap3A, %swap3A_4], %reshape3A_3 {strides = array<i32>} : memref<256x256xf32, #tpu.memory_space<vmem>>, vector<256x256xf32>,
    %slice3A_6 = vector.extract_strided_slice %reshape3A {offsets = [0, 0, 8], sizes = [256, 20, 16], strides = [1, 1, 1]} : vector<256x20x64xf32> to vector<256x20x16xf32>
    %reduce_sum3A = arith.constant dense<0.000000e+00> : vector<16xf32>
    %reduce_sum3A_7 = vector.multi_reduction <add>, %slice3A_6, %reduce_sum3A [0, 1] : vector<256x20x16xf32> to vector<16xf32>
    %mul3A = arith.mulf %slice3A_6, %slice3A_6 : vector<256x20x16xf32>
    %reduce_sum3A_8 = arith.constant dense<0.000000e+00> : vector<16xf32>
    %reduce_sum3A_9 = vector.multi_reduction <add>, %mul3A, %reduce_sum3A_8 [0, 1] : vector<256x20x16xf32> to vector<16xf32>
    %stack3A = vector.shape_cast %reduce_sum3A_7 : vector<16xf32> to vector<1x16xf32>
    %stack3A_10 = vector.shape_cast %reduce_sum3A_9 : vector<16xf32> to vector<1x16xf32>
    %stack3A_11 = tpu.concatenate %stack3A, %stack3A_10 in 0 : vector<1x16xf32>, vector<1x16xf32> -> vector<2x16xf32>
    %eq3A = arith.constant 0 : i32
    %eq3A_12 = arith.cmpi eq, %arg0, %eq3A : i32
    %convert_element_type3A = arith.extui %eq3A_12 : i1 to i32
    %cond3A = arith.constant 0 : i32
    %cond3A_13 = arith.cmpi ne, %convert_element_type3A, %cond3A : i32
    scf.if %cond3A_13 {
      %swap3A_18 = arith.constant 0 : index
      %swap3A_19 = arith.constant 0 : index
      %swap3A_20 = vector.load %arg3[%swap3A_18, %swap3A_19] : memref<2x16xf32, #tpu.memory_space<vmem>>, vector<2x16xf32>
      tpu.vector_store %arg3[%swap3A_18, %swap3A_19], %stack3A_11 {strides = array<i32>} : memref<2x16xf32, #tpu.memory_space<vmem>>, vector<2x16xf32>,
    } else {
    }
    %gt3A = arith.constant 0 : i32
    %gt3A_14 = arith.cmpi sgt, %arg0, %gt3A : i32
    %convert_element_type3A_15 = arith.extui %gt3A_14 : i1 to i32
    %cond3A_16 = arith.constant 0 : i32
    %cond3A_17 = arith.cmpi ne, %convert_element_type3A_15, %cond3A_16 : i32
    scf.if %cond3A_17 {
      %get3A_18 = arith.constant 0 : index
      %get3A_19 = arith.constant 0 : index
      %get3A_20 = vector.load %arg3[%get3A_18, %get3A_19] : memref<2x16xf32, #tpu.memory_space<vmem>>, vector<2x16xf32>
      %add3A = arith.addf %get3A_20, %stack3A_11 : vector<2x16xf32>
      %swap3A_21 = arith.constant 0 : index
      %swap3A_22 = arith.constant 0 : index
      %swap3A_23 = vector.load %arg3[%swap3A_21, %swap3A_22] : memref<2x16xf32, #tpu.memory_space<vmem>>, vector<2x16xf32>
      tpu.vector_store %arg3[%swap3A_21, %swap3A_22], %add3A {strides = array<i32>} : memref<2x16xf32, #tpu.memory_space<vmem>>, vector<2x16xf32>,
    } else {
    }
    return
  }
  func.func @transform_0(%arg0: i32) -> (i32, i32) {
    %c0_i32 = arith.constant 0 : i32
    %c0_i32_0 = arith.constant 0 : i32
    return %arg0, %c0_i32 : i32, i32
  }
  func.func @transform_1(%arg0: i32) -> (i32, i32) {
    %c0_i32 = arith.constant 0 : i32
    %c0_i32_0 = arith.constant 0 : i32
    return %arg0, %c0_i32 : i32, i32
  }
  func.func @transform_2(%arg0: i32) -> (i32, i32) {
    %c0_i32 = arith.constant 0 : i32
    %c0_i32_0 = arith.constant 0 : i32
    %c0_i32_1 = arith.constant 0 : i32
    return %c0_i32, %c0_i32_0 : i32, i32
  }
}

module attributes {stable_mosaic.version = 14 : i64} {
  func.func @_merge_body(%arg0: i32, %arg1: memref<256x1280xf32, #tpu.memory_space<vmem>>, %arg2: memref<256x256xf32, #tpu.memory_space<vmem>>, %arg3: memref<16x5120xf32, #tpu.memory_space<vmem>>, %arg4: memref<2x16xf32, #tpu.memory_space<vmem>>, %arg5: memref<256x1280xf32, #tpu.memory_space<vmem>>, %arg6: memref<256x1280xi8, #tpu.memory_space<vmem>>) attributes {dimension_semantics = [#tpu.dimension_semantics<arbitrary>], iteration_bounds = array<i64: 64>, scalar_prefetch = 0 : i64, scratch_operands = 0 : i64, tpu.core_type = #tpu.core_type<tc>, window_params = [{transform_indices = @transform_0, window_bounds = array<i64: 256, 1280>}, {transform_indices = @transform_1, window_bounds = array<i64: 256, 256>}, {transform_indices = @transform_2, window_bounds = array<i64: 16, 5120>}, {pipeline_mode = #tpu.pipeline_mode<synchronous>, transform_indices = @transform_3, window_bounds = array<i64: 2, 16>}, {transform_indices = @transform_4, window_bounds = array<i64: 256, 1280>}, {transform_indices = @transform_5, window_bounds = array<i64: 256, 1280>}]} {
    %get3A = arith.constant 0 : index
    %get3A_0 = arith.constant 0 : index
    %get3A_1 = vector.load %arg1[%get3A, %get3A_0] : memref<256x1280xf32, #tpu.memory_space<vmem>>, vector<256x1280xf32>
    %reshape3A = vector.shape_cast %get3A_1 : vector<256x1280xf32> to vector<256x20x64xf32>
    %iota3A = tpu.iota {dimensions = array<i32: 0>} : vector<256x1280xi32>
    %iota3A_2 = tpu.iota {dimensions = array<i32: 1>} : vector<256x1280xi32>
    %mul3A = arith.constant 256 : i32
    %mul3A_3 = arith.muli %arg0, %mul3A : i32
    %add3A = vector.broadcast %mul3A_3 : i32 to vector<256x1280xi32>
    %add3A_4 = arith.addi %add3A, %iota3A : vector<256x1280xi32>
    %mul3A_5 = arith.constant 1280 : i32
    %mul3A_6 = vector.broadcast %mul3A_5 : i32 to vector<256x1280xi32>
    %mul3A_7 = arith.muli %add3A_4, %mul3A_6 : vector<256x1280xi32>
    %add3A_8 = arith.addi %mul3A_7, %iota3A_2 : vector<256x1280xi32>
    %broadcast_in_dim3A = arith.constant 0 : i32
    %broadcast_in_dim3A_9 = vector.broadcast %broadcast_in_dim3A : i32 to vector<256x1280xi32>
    %add3A_10 = arith.constant 1832780943 : i32
    %add3A_11 = vector.broadcast %add3A_10 : i32 to vector<256x1280xi32>
    %add3A_12 = arith.addi %broadcast_in_dim3A_9, %add3A_11 : vector<256x1280xi32>
    %add3A_13 = arith.constant 270669613 : i32
    %add3A_14 = vector.broadcast %add3A_13 : i32 to vector<256x1280xi32>
    %add3A_15 = arith.addi %add3A_8, %add3A_14 : vector<256x1280xi32>
    %add3A_16 = arith.addi %add3A_12, %add3A_15 : vector<256x1280xi32>
    %shift_left3A = arith.constant 13 : i32
    %shift_left3A_17 = vector.broadcast %shift_left3A : i32 to vector<256x1280xi32>
    %shift_left3A_18 = arith.shli %add3A_15, %shift_left3A_17 : vector<256x1280xi32>
    %shift_right_logical3A = arith.constant 19 : i32
    %shift_right_logical3A_19 = vector.broadcast %shift_right_logical3A : i32 to vector<256x1280xi32>
    %shift_right_logical3A_20 = arith.shrui %add3A_15, %shift_right_logical3A_19 : vector<256x1280xi32>
    %or3A = arith.ori %shift_left3A_18, %shift_right_logical3A_20 : vector<256x1280xi32>
    %xor3A = arith.xori %add3A_16, %or3A : vector<256x1280xi32>
    %add3A_21 = arith.addi %add3A_16, %xor3A : vector<256x1280xi32>
    %shift_left3A_22 = arith.constant 15 : i32
    %shift_left3A_23 = vector.broadcast %shift_left3A_22 : i32 to vector<256x1280xi32>
    %shift_left3A_24 = arith.shli %xor3A, %shift_left3A_23 : vector<256x1280xi32>
    %shift_right_logical3A_25 = arith.constant 17 : i32
    %shift_right_logical3A_26 = vector.broadcast %shift_right_logical3A_25 : i32 to vector<256x1280xi32>
    %shift_right_logical3A_27 = arith.shrui %xor3A, %shift_right_logical3A_26 : vector<256x1280xi32>
    %or3A_28 = arith.ori %shift_left3A_24, %shift_right_logical3A_27 : vector<256x1280xi32>
    %xor3A_29 = arith.xori %add3A_21, %or3A_28 : vector<256x1280xi32>
    %add3A_30 = arith.addi %add3A_21, %xor3A_29 : vector<256x1280xi32>
    %shift_left3A_31 = arith.constant 26 : i32
    %shift_left3A_32 = vector.broadcast %shift_left3A_31 : i32 to vector<256x1280xi32>
    %shift_left3A_33 = arith.shli %xor3A_29, %shift_left3A_32 : vector<256x1280xi32>
    %shift_right_logical3A_34 = arith.constant 6 : i32
    %shift_right_logical3A_35 = vector.broadcast %shift_right_logical3A_34 : i32 to vector<256x1280xi32>
    %shift_right_logical3A_36 = arith.shrui %xor3A_29, %shift_right_logical3A_35 : vector<256x1280xi32>
    %or3A_37 = arith.ori %shift_left3A_33, %shift_right_logical3A_36 : vector<256x1280xi32>
    %xor3A_38 = arith.xori %add3A_30, %or3A_37 : vector<256x1280xi32>
    %add3A_39 = arith.addi %add3A_30, %xor3A_38 : vector<256x1280xi32>
    %shift_left3A_40 = arith.constant 6 : i32
    %shift_left3A_41 = vector.broadcast %shift_left3A_40 : i32 to vector<256x1280xi32>
    %shift_left3A_42 = arith.shli %xor3A_38, %shift_left3A_41 : vector<256x1280xi32>
    %shift_right_logical3A_43 = arith.constant 26 : i32
    %shift_right_logical3A_44 = vector.broadcast %shift_right_logical3A_43 : i32 to vector<256x1280xi32>
    %shift_right_logical3A_45 = arith.shrui %xor3A_38, %shift_right_logical3A_44 : vector<256x1280xi32>
    %or3A_46 = arith.ori %shift_left3A_42, %shift_right_logical3A_45 : vector<256x1280xi32>
    %xor3A_47 = arith.xori %add3A_39, %or3A_46 : vector<256x1280xi32>
    %add3A_48 = arith.constant 270669613 : i32
    %add3A_49 = vector.broadcast %add3A_48 : i32 to vector<256x1280xi32>
    %add3A_50 = arith.addi %add3A_39, %add3A_49 : vector<256x1280xi32>
    %add3A_51 = arith.constant 1724713080 : i32
    %add3A_52 = vector.broadcast %add3A_51 : i32 to vector<256x1280xi32>
    %add3A_53 = arith.addi %xor3A_47, %add3A_52 : vector<256x1280xi32>
    %add3A_54 = arith.constant 1 : i32
    %add3A_55 = vector.broadcast %add3A_54 : i32 to vector<256x1280xi32>
    %add3A_56 = arith.addi %add3A_53, %add3A_55 : vector<256x1280xi32>
    %add3A_57 = arith.addi %add3A_50, %add3A_56 : vector<256x1280xi32>
    %shift_left3A_58 = arith.constant 17 : i32
    %shift_left3A_59 = vector.broadcast %shift_left3A_58 : i32 to vector<256x1280xi32>
    %shift_left3A_60 = arith.shli %add3A_56, %shift_left3A_59 : vector<256x1280xi32>
    %shift_right_logical3A_61 = arith.constant 15 : i32
    %shift_right_logical3A_62 = vector.broadcast %shift_right_logical3A_61 : i32 to vector<256x1280xi32>
    %shift_right_logical3A_63 = arith.shrui %add3A_56, %shift_right_logical3A_62 : vector<256x1280xi32>
    %or3A_64 = arith.ori %shift_left3A_60, %shift_right_logical3A_63 : vector<256x1280xi32>
    %xor3A_65 = arith.xori %add3A_57, %or3A_64 : vector<256x1280xi32>
    %add3A_66 = arith.addi %add3A_57, %xor3A_65 : vector<256x1280xi32>
    %shift_left3A_67 = arith.constant 29 : i32
    %shift_left3A_68 = vector.broadcast %shift_left3A_67 : i32 to vector<256x1280xi32>
    %shift_left3A_69 = arith.shli %xor3A_65, %shift_left3A_68 : vector<256x1280xi32>
    %shift_right_logical3A_70 = arith.constant 3 : i32
    %shift_right_logical3A_71 = vector.broadcast %shift_right_logical3A_70 : i32 to vector<256x1280xi32>
    %shift_right_logical3A_72 = arith.shrui %xor3A_65, %shift_right_logical3A_71 : vector<256x1280xi32>
    %or3A_73 = arith.ori %shift_left3A_69, %shift_right_logical3A_72 : vector<256x1280xi32>
    %xor3A_74 = arith.xori %add3A_66, %or3A_73 : vector<256x1280xi32>
    %add3A_75 = arith.addi %add3A_66, %xor3A_74 : vector<256x1280xi32>
    %shift_left3A_76 = arith.constant 16 : i32
    %shift_left3A_77 = vector.broadcast %shift_left3A_76 : i32 to vector<256x1280xi32>
    %shift_left3A_78 = arith.shli %xor3A_74, %shift_left3A_77 : vector<256x1280xi32>
    %shift_right_logical3A_79 = arith.constant 16 : i32
    %shift_right_logical3A_80 = vector.broadcast %shift_right_logical3A_79 : i32 to vector<256x1280xi32>
    %shift_right_logical3A_81 = arith.shrui %xor3A_74, %shift_right_logical3A_80 : vector<256x1280xi32>
    %or3A_82 = arith.ori %shift_left3A_78, %shift_right_logical3A_81 : vector<256x1280xi32>
    %xor3A_83 = arith.xori %add3A_75, %or3A_82 : vector<256x1280xi32>
    %add3A_84 = arith.addi %add3A_75, %xor3A_83 : vector<256x1280xi32>
    %shift_left3A_85 = arith.constant 24 : i32
    %shift_left3A_86 = vector.broadcast %shift_left3A_85 : i32 to vector<256x1280xi32>
    %shift_left3A_87 = arith.shli %xor3A_83, %shift_left3A_86 : vector<256x1280xi32>
    %shift_right_logical3A_88 = arith.constant 8 : i32
    %shift_right_logical3A_89 = vector.broadcast %shift_right_logical3A_88 : i32 to vector<256x1280xi32>
    %shift_right_logical3A_90 = arith.shrui %xor3A_83, %shift_right_logical3A_89 : vector<256x1280xi32>
    %or3A_91 = arith.ori %shift_left3A_87, %shift_right_logical3A_90 : vector<256x1280xi32>
    %xor3A_92 = arith.xori %add3A_84, %or3A_91 : vector<256x1280xi32>
    %add3A_93 = arith.constant 1724713080 : i32
    %add3A_94 = vector.broadcast %add3A_93 : i32 to vector<256x1280xi32>
    %add3A_95 = arith.addi %add3A_84, %add3A_94 : vector<256x1280xi32>
    %add3A_96 = arith.constant 1832780943 : i32
    %add3A_97 = vector.broadcast %add3A_96 : i32 to vector<256x1280xi32>
    %add3A_98 = arith.addi %xor3A_92, %add3A_97 : vector<256x1280xi32>
    %add3A_99 = arith.constant 2 : i32
    %add3A_100 = vector.broadcast %add3A_99 : i32 to vector<256x1280xi32>
    %add3A_101 = arith.addi %add3A_98, %add3A_100 : vector<256x1280xi32>
    %add3A_102 = arith.addi %add3A_95, %add3A_101 : vector<256x1280xi32>
    %shift_left3A_103 = arith.constant 13 : i32
    %shift_left3A_104 = vector.broadcast %shift_left3A_103 : i32 to vector<256x1280xi32>
    %shift_left3A_105 = arith.shli %add3A_101, %shift_left3A_104 : vector<256x1280xi32>
    %shift_right_logical3A_106 = arith.constant 19 : i32
    %shift_right_logical3A_107 = vector.broadcast %shift_right_logical3A_106 : i32 to vector<256x1280xi32>
    %shift_right_logical3A_108 = arith.shrui %add3A_101, %shift_right_logical3A_107 : vector<256x1280xi32>
    %or3A_109 = arith.ori %shift_left3A_105, %shift_right_logical3A_108 : vector<256x1280xi32>
    %xor3A_110 = arith.xori %add3A_102, %or3A_109 : vector<256x1280xi32>
    %add3A_111 = arith.addi %add3A_102, %xor3A_110 : vector<256x1280xi32>
    %shift_left3A_112 = arith.constant 15 : i32
    %shift_left3A_113 = vector.broadcast %shift_left3A_112 : i32 to vector<256x1280xi32>
    %shift_left3A_114 = arith.shli %xor3A_110, %shift_left3A_113 : vector<256x1280xi32>
    %shift_right_logical3A_115 = arith.constant 17 : i32
    %shift_right_logical3A_116 = vector.broadcast %shift_right_logical3A_115 : i32 to vector<256x1280xi32>
    %shift_right_logical3A_117 = arith.shrui %xor3A_110, %shift_right_logical3A_116 : vector<256x1280xi32>
    %or3A_118 = arith.ori %shift_left3A_114, %shift_right_logical3A_117 : vector<256x1280xi32>
    %xor3A_119 = arith.xori %add3A_111, %or3A_118 : vector<256x1280xi32>
    %add3A_120 = arith.addi %add3A_111, %xor3A_119 : vector<256x1280xi32>
    %shift_left3A_121 = arith.constant 26 : i32
    %shift_left3A_122 = vector.broadcast %shift_left3A_121 : i32 to vector<256x1280xi32>
    %shift_left3A_123 = arith.shli %xor3A_119, %shift_left3A_122 : vector<256x1280xi32>
    %shift_right_logical3A_124 = arith.constant 6 : i32
    %shift_right_logical3A_125 = vector.broadcast %shift_right_logical3A_124 : i32 to vector<256x1280xi32>
    %shift_right_logical3A_126 = arith.shrui %xor3A_119, %shift_right_logical3A_125 : vector<256x1280xi32>
    %or3A_127 = arith.ori %shift_left3A_123, %shift_right_logical3A_126 : vector<256x1280xi32>
    %xor3A_128 = arith.xori %add3A_120, %or3A_127 : vector<256x1280xi32>
    %add3A_129 = arith.addi %add3A_120, %xor3A_128 : vector<256x1280xi32>
    %shift_left3A_130 = arith.constant 6 : i32
    %shift_left3A_131 = vector.broadcast %shift_left3A_130 : i32 to vector<256x1280xi32>
    %shift_left3A_132 = arith.shli %xor3A_128, %shift_left3A_131 : vector<256x1280xi32>
    %shift_right_logical3A_133 = arith.constant 26 : i32
    %shift_right_logical3A_134 = vector.broadcast %shift_right_logical3A_133 : i32 to vector<256x1280xi32>
    %shift_right_logical3A_135 = arith.shrui %xor3A_128, %shift_right_logical3A_134 : vector<256x1280xi32>
    %or3A_136 = arith.ori %shift_left3A_132, %shift_right_logical3A_135 : vector<256x1280xi32>
    %xor3A_137 = arith.xori %add3A_129, %or3A_136 : vector<256x1280xi32>
    %add3A_138 = arith.constant 1832780943 : i32
    %add3A_139 = vector.broadcast %add3A_138 : i32 to vector<256x1280xi32>
    %add3A_140 = arith.addi %add3A_129, %add3A_139 : vector<256x1280xi32>
    %add3A_141 = arith.constant 270669613 : i32
    %add3A_142 = vector.broadcast %add3A_141 : i32 to vector<256x1280xi32>
    %add3A_143 = arith.addi %xor3A_137, %add3A_142 : vector<256x1280xi32>
    %add3A_144 = arith.constant 3 : i32
    %add3A_145 = vector.broadcast %add3A_144 : i32 to vector<256x1280xi32>
    %add3A_146 = arith.addi %add3A_143, %add3A_145 : vector<256x1280xi32>
    %add3A_147 = arith.addi %add3A_140, %add3A_146 : vector<256x1280xi32>
    %shift_left3A_148 = arith.constant 17 : i32
    %shift_left3A_149 = vector.broadcast %shift_left3A_148 : i32 to vector<256x1280xi32>
    %shift_left3A_150 = arith.shli %add3A_146, %shift_left3A_149 : vector<256x1280xi32>
    %shift_right_logical3A_151 = arith.constant 15 : i32
    %shift_right_logical3A_152 = vector.broadcast %shift_right_logical3A_151 : i32 to vector<256x1280xi32>
    %shift_right_logical3A_153 = arith.shrui %add3A_146, %shift_right_logical3A_152 : vector<256x1280xi32>
    %or3A_154 = arith.ori %shift_left3A_150, %shift_right_logical3A_153 : vector<256x1280xi32>
    %xor3A_155 = arith.xori %add3A_147, %or3A_154 : vector<256x1280xi32>
    %add3A_156 = arith.addi %add3A_147, %xor3A_155 : vector<256x1280xi32>
    %shift_left3A_157 = arith.constant 29 : i32
    %shift_left3A_158 = vector.broadcast %shift_left3A_157 : i32 to vector<256x1280xi32>
    %shift_left3A_159 = arith.shli %xor3A_155, %shift_left3A_158 : vector<256x1280xi32>
    %shift_right_logical3A_160 = arith.constant 3 : i32
    %shift_right_logical3A_161 = vector.broadcast %shift_right_logical3A_160 : i32 to vector<256x1280xi32>
    %shift_right_logical3A_162 = arith.shrui %xor3A_155, %shift_right_logical3A_161 : vector<256x1280xi32>
    %or3A_163 = arith.ori %shift_left3A_159, %shift_right_logical3A_162 : vector<256x1280xi32>
    %xor3A_164 = arith.xori %add3A_156, %or3A_163 : vector<256x1280xi32>
    %add3A_165 = arith.addi %add3A_156, %xor3A_164 : vector<256x1280xi32>
    %shift_left3A_166 = arith.constant 16 : i32
    %shift_left3A_167 = vector.broadcast %shift_left3A_166 : i32 to vector<256x1280xi32>
    %shift_left3A_168 = arith.shli %xor3A_164, %shift_left3A_167 : vector<256x1280xi32>
    %shift_right_logical3A_169 = arith.constant 16 : i32
    %shift_right_logical3A_170 = vector.broadcast %shift_right_logical3A_169 : i32 to vector<256x1280xi32>
    %shift_right_logical3A_171 = arith.shrui %xor3A_164, %shift_right_logical3A_170 : vector<256x1280xi32>
    %or3A_172 = arith.ori %shift_left3A_168, %shift_right_logical3A_171 : vector<256x1280xi32>
    %xor3A_173 = arith.xori %add3A_165, %or3A_172 : vector<256x1280xi32>
    %add3A_174 = arith.addi %add3A_165, %xor3A_173 : vector<256x1280xi32>
    %shift_left3A_175 = arith.constant 24 : i32
    %shift_left3A_176 = vector.broadcast %shift_left3A_175 : i32 to vector<256x1280xi32>
    %shift_left3A_177 = arith.shli %xor3A_173, %shift_left3A_176 : vector<256x1280xi32>
    %shift_right_logical3A_178 = arith.constant 8 : i32
    %shift_right_logical3A_179 = vector.broadcast %shift_right_logical3A_178 : i32 to vector<256x1280xi32>
    %shift_right_logical3A_180 = arith.shrui %xor3A_173, %shift_right_logical3A_179 : vector<256x1280xi32>
    %or3A_181 = arith.ori %shift_left3A_177, %shift_right_logical3A_180 : vector<256x1280xi32>
    %xor3A_182 = arith.xori %add3A_174, %or3A_181 : vector<256x1280xi32>
    %add3A_183 = arith.constant 270669613 : i32
    %add3A_184 = vector.broadcast %add3A_183 : i32 to vector<256x1280xi32>
    %add3A_185 = arith.addi %add3A_174, %add3A_184 : vector<256x1280xi32>
    %add3A_186 = arith.constant 1724713080 : i32
    %add3A_187 = vector.broadcast %add3A_186 : i32 to vector<256x1280xi32>
    %add3A_188 = arith.addi %xor3A_182, %add3A_187 : vector<256x1280xi32>
    %add3A_189 = arith.constant 4 : i32
    %add3A_190 = vector.broadcast %add3A_189 : i32 to vector<256x1280xi32>
    %add3A_191 = arith.addi %add3A_188, %add3A_190 : vector<256x1280xi32>
    %add3A_192 = arith.addi %add3A_185, %add3A_191 : vector<256x1280xi32>
    %shift_left3A_193 = arith.constant 13 : i32
    %shift_left3A_194 = vector.broadcast %shift_left3A_193 : i32 to vector<256x1280xi32>
    %shift_left3A_195 = arith.shli %add3A_191, %shift_left3A_194 : vector<256x1280xi32>
    %shift_right_logical3A_196 = arith.constant 19 : i32
    %shift_right_logical3A_197 = vector.broadcast %shift_right_logical3A_196 : i32 to vector<256x1280xi32>
    %shift_right_logical3A_198 = arith.shrui %add3A_191, %shift_right_logical3A_197 : vector<256x1280xi32>
    %or3A_199 = arith.ori %shift_left3A_195, %shift_right_logical3A_198 : vector<256x1280xi32>
    %xor3A_200 = arith.xori %add3A_192, %or3A_199 : vector<256x1280xi32>
    %add3A_201 = arith.addi %add3A_192, %xor3A_200 : vector<256x1280xi32>
    %shift_left3A_202 = arith.constant 15 : i32
    %shift_left3A_203 = vector.broadcast %shift_left3A_202 : i32 to vector<256x1280xi32>
    %shift_left3A_204 = arith.shli %xor3A_200, %shift_left3A_203 : vector<256x1280xi32>
    %shift_right_logical3A_205 = arith.constant 17 : i32
    %shift_right_logical3A_206 = vector.broadcast %shift_right_logical3A_205 : i32 to vector<256x1280xi32>
    %shift_right_logical3A_207 = arith.shrui %xor3A_200, %shift_right_logical3A_206 : vector<256x1280xi32>
    %or3A_208 = arith.ori %shift_left3A_204, %shift_right_logical3A_207 : vector<256x1280xi32>
    %xor3A_209 = arith.xori %add3A_201, %or3A_208 : vector<256x1280xi32>
    %add3A_210 = arith.addi %add3A_201, %xor3A_209 : vector<256x1280xi32>
    %shift_left3A_211 = arith.constant 26 : i32
    %shift_left3A_212 = vector.broadcast %shift_left3A_211 : i32 to vector<256x1280xi32>
    %shift_left3A_213 = arith.shli %xor3A_209, %shift_left3A_212 : vector<256x1280xi32>
    %shift_right_logical3A_214 = arith.constant 6 : i32
    %shift_right_logical3A_215 = vector.broadcast %shift_right_logical3A_214 : i32 to vector<256x1280xi32>
    %shift_right_logical3A_216 = arith.shrui %xor3A_209, %shift_right_logical3A_215 : vector<256x1280xi32>
    %or3A_217 = arith.ori %shift_left3A_213, %shift_right_logical3A_216 : vector<256x1280xi32>
    %xor3A_218 = arith.xori %add3A_210, %or3A_217 : vector<256x1280xi32>
    %add3A_219 = arith.addi %add3A_210, %xor3A_218 : vector<256x1280xi32>
    %shift_left3A_220 = arith.constant 6 : i32
    %shift_left3A_221 = vector.broadcast %shift_left3A_220 : i32 to vector<256x1280xi32>
    %shift_left3A_222 = arith.shli %xor3A_218, %shift_left3A_221 : vector<256x1280xi32>
    %shift_right_logical3A_223 = arith.constant 26 : i32
    %shift_right_logical3A_224 = vector.broadcast %shift_right_logical3A_223 : i32 to vector<256x1280xi32>
    %shift_right_logical3A_225 = arith.shrui %xor3A_218, %shift_right_logical3A_224 : vector<256x1280xi32>
    %or3A_226 = arith.ori %shift_left3A_222, %shift_right_logical3A_225 : vector<256x1280xi32>
    %xor3A_227 = arith.xori %add3A_219, %or3A_226 : vector<256x1280xi32>
    %add3A_228 = arith.constant 1724713080 : i32
    %add3A_229 = vector.broadcast %add3A_228 : i32 to vector<256x1280xi32>
    %add3A_230 = arith.addi %add3A_219, %add3A_229 : vector<256x1280xi32>
    %add3A_231 = arith.constant 1832780943 : i32
    %add3A_232 = vector.broadcast %add3A_231 : i32 to vector<256x1280xi32>
    %add3A_233 = arith.addi %xor3A_227, %add3A_232 : vector<256x1280xi32>
    %add3A_234 = arith.constant 5 : i32
    %add3A_235 = vector.broadcast %add3A_234 : i32 to vector<256x1280xi32>
    %add3A_236 = arith.addi %add3A_233, %add3A_235 : vector<256x1280xi32>
    %xor3A_237 = arith.xori %add3A_230, %add3A_236 : vector<256x1280xi32>
    %shift_right_logical3A_238 = arith.constant 9 : i32
    %shift_right_logical3A_239 = vector.broadcast %shift_right_logical3A_238 : i32 to vector<256x1280xi32>
    %shift_right_logical3A_240 = arith.shrui %xor3A_237, %shift_right_logical3A_239 : vector<256x1280xi32>
    %or3A_241 = arith.constant 1065353216 : i32
    %or3A_242 = vector.broadcast %or3A_241 : i32 to vector<256x1280xi32>
    %or3A_243 = arith.ori %shift_right_logical3A_240, %or3A_242 : vector<256x1280xi32>
    %bitcast_convert_type3A = tpu.bitcast %or3A_243 : vector<256x1280xi32> -> vector<256x1280xf32>
    %sub3A = arith.constant 1.000000e+00 : f32
    %sub3A_244 = vector.broadcast %sub3A : f32 to vector<256x1280xf32>
    %sub3A_245 = arith.subf %bitcast_convert_type3A, %sub3A_244 : vector<256x1280xf32>
    %lt3A = arith.constant 3.000000e-01 : f32
    %lt3A_246 = vector.broadcast %lt3A : f32 to vector<256x1280xf32>
    %lt3A_247 = arith.cmpf olt, %sub3A_245, %lt3A_246 : vector<256x1280xf32>
    %convert_element_type3A = arith.extui %lt3A_247 : vector<256x1280xi1> to vector<256x1280xi8>
    %swap3A = arith.constant 0 : index
    %swap3A_248 = arith.constant 0 : index
    %swap3A_249 = vector.load %arg6[%swap3A, %swap3A_248] : memref<256x1280xi8, #tpu.memory_space<vmem>>, vector<256x1280xi8>
    tpu.vector_store %arg6[%swap3A, %swap3A_248], %convert_element_type3A {strides = array<i32>} : memref<256x1280xi8, #tpu.memory_space<vmem>>, vector<256x1280xi8>,
    %reshape3A_250 = vector.shape_cast %sub3A_245 : vector<256x1280xf32> to vector<256x20x64xf32>
    %lt3A_251 = arith.constant 3.000000e-01 : f32
    %lt3A_252 = vector.broadcast %lt3A_251 : f32 to vector<256x20x64xf32>
    %lt3A_253 = arith.cmpf olt, %reshape3A_250, %lt3A_252 : vector<256x20x64xf32>
    %get3A_254 = arith.constant 0 : index
    %get3A_255 = arith.constant 0 : index
    %get3A_256 = vector.load %arg4[%get3A_254, %get3A_255] : memref<2x16xf32, #tpu.memory_space<vmem>>, vector<2x16xf32>
    %slice3A = vector.extract_strided_slice %get3A_256 {offsets = [1, 0], sizes = [1, 16], strides = [1, 1]} : vector<2x16xf32> to vector<1x16xf32>
    %squeeze3A = vector.shape_cast %slice3A : vector<1x16xf32> to vector<16xf32>
    %slice3A_257 = vector.extract_strided_slice %get3A_256 {offsets = [0, 0], sizes = [1, 16], strides = [1, 1]} : vector<2x16xf32> to vector<1x16xf32>
    %squeeze3A_258 = vector.shape_cast %slice3A_257 : vector<1x16xf32> to vector<16xf32>
    %slice3A_259 = vector.extract_strided_slice %get3A_256 {offsets = [0, 0], sizes = [1, 16], strides = [1, 1]} : vector<2x16xf32> to vector<1x16xf32>
    %squeeze3A_260 = vector.shape_cast %slice3A_259 : vector<1x16xf32> to vector<16xf32>
    %mul3A_261 = arith.mulf %squeeze3A_258, %squeeze3A_260 : vector<16xf32>
    %div3A = arith.constant 3.276800e+05 : f32
    %div3A_262 = vector.broadcast %div3A : f32 to vector<16xf32>
    %div3A_263 = arith.divf %mul3A_261, %div3A_262 : vector<16xf32>
    %sub3A_264 = arith.subf %squeeze3A, %div3A_263 : vector<16xf32>
    %sub3A_265 = arith.constant 3.276800e+05 : f32
    %sub3A_266 = arith.constant 1.000000e+00 : f32
    %sub3A_267 = arith.subf %sub3A_265, %sub3A_266 : f32
    %div3A_268 = vector.broadcast %sub3A_267 : f32 to vector<16xf32>
    %div3A_269 = arith.divf %sub3A_264, %div3A_268 : vector<16xf32>
    %sqrt3A = math.sqrt %div3A_269 : vector<16xf32>
    %get3A_270 = arith.constant 0 : index
    %get3A_271 = arith.constant 0 : index
    %get3A_272 = vector.load %arg2[%get3A_270, %get3A_271] : memref<256x256xf32, #tpu.memory_space<vmem>>, vector<256x256xf32>
    %reshape3A_273 = vector.shape_cast %get3A_272 : vector<256x256xf32> to vector<256x8x32xf32>
    %transpose3A = tpu.transpose %reshape3A_273, [0, 2, 1] : vector<256x8x32xf32> -> vector<256x32x8xf32>
    %slice3A_274 = vector.extract_strided_slice %transpose3A {offsets = [0, 0, 0], sizes = [256, 20, 8], strides = [1, 1, 1]} : vector<256x32x8xf32> to vector<256x20x8xf32>
    %get3A_275 = arith.constant 0 : index
    %get3A_276 = arith.constant 0 : index
    %get3A_277 = vector.load %arg3[%get3A_275, %get3A_276] : memref<16x5120xf32, #tpu.memory_space<vmem>>, vector<16x5120xf32>
    %reshape3A_278 = vector.shape_cast %get3A_277 : vector<16x5120xf32> to vector<16x256x20xf32>
    %transpose3A_279 = tpu.transpose %reshape3A_278, [1, 2, 0] : vector<16x256x20xf32> -> vector<256x20x16xf32>
    %broadcast_in_dim3A_280 = vector.shape_cast %sqrt3A : vector<16xf32> to vector<1x1x16xf32>
    %mul3A_281 = vector.broadcast %broadcast_in_dim3A_280 : vector<1x1x16xf32> to vector<256x20x16xf32>
    %mul3A_282 = arith.mulf %transpose3A_279, %mul3A_281 : vector<256x20x16xf32>
    %slice3A_283 = vector.extract_strided_slice %reshape3A {offsets = [0, 0, 24], sizes = [256, 20, 40], strides = [1, 1, 1]} : vector<256x20x64xf32> to vector<256x20x40xf32>
    %concatenate3A = tpu.concatenate %slice3A_274, %mul3A_282, %slice3A_283 in 2 : vector<256x20x8xf32>, vector<256x20x16xf32>, vector<256x20x40xf32> -> vector<256x20x64xf32>
    %select_n3A = arith.select %lt3A_253, %concatenate3A, %reshape3A : vector<256x20x64xi1>, vector<256x20x64xf32>
    %reshape3A_284 = vector.shape_cast %select_n3A : vector<256x20x64xf32> to vector<256x1280xf32>
    %swap3A_285 = arith.constant 0 : index
    %swap3A_286 = arith.constant 0 : index
    %swap3A_287 = vector.load %arg5[%swap3A_285, %swap3A_286] : memref<256x1280xf32, #tpu.memory_space<vmem>>, vector<256x1280xf32>
    tpu.vector_store %arg5[%swap3A_285, %swap3A_286], %reshape3A_284 {strides = array<i32>} : memref<256x1280xf32, #tpu.memory_space<vmem>>, vector<256x1280xf32>,
    return
  }
  func.func @transform_0(%arg0: i32) -> (i32, i32) {
    %c0_i32 = arith.constant 0 : i32
    %c0_i32_0 = arith.constant 0 : i32
    return %arg0, %c0_i32 : i32, i32
  }
  func.func @transform_1(%arg0: i32) -> (i32, i32) {
    %c0_i32 = arith.constant 0 : i32
    %c0_i32_0 = arith.constant 0 : i32
    return %arg0, %c0_i32 : i32, i32
  }
  func.func @transform_2(%arg0: i32) -> (i32, i32) {
    %c0_i32 = arith.constant 0 : i32
    %c0_i32_0 = arith.constant 0 : i32
    return %c0_i32, %arg0 : i32, i32
  }
  func.func @transform_3(%arg0: i32) -> (i32, i32) {
    %c0_i32 = arith.constant 0 : i32
    %c0_i32_0 = arith.constant 0 : i32
    %c0_i32_1 = arith.constant 0 : i32
    return %c0_i32, %c0_i32_0 : i32, i32
  }
  func.func @transform_4(%arg0: i32) -> (i32, i32) {
    %c0_i32 = arith.constant 0 : i32
    %c0_i32_0 = arith.constant 0 : i32
    return %arg0, %c0_i32 : i32, i32
  }
  func.func @transform_5(%arg0: i32) -> (i32, i32) {
    %c0_i32 = arith.constant 0 : i32
    %c0_i32_0 = arith.constant 0 : i32
    return %arg0, %c0_i32 : i32, i32
  }
}

</mosaic_0001>

<sc_bundles>
// kernel: kernel.7.cloned.1.call-start
scs
__scs_entry_jumppad:
0x0: {  	(pc) =	sbr.rel $0x88, $3  }
0x1: {  	(tag) =	ssettag $0x0;
	lr =	simm.s32 $0x1  }
0x2: {  	[smem:$0x3FA0] =	sst lr;
	_ =	strace $0xD0000000  }
0x3: {  	_ = 	snop  }
0x4: {  	_ = 	snop  }
0x5: {  	_ = 	snop  }
0x6: {  	_ = 	snop  }
0x7: {  	_ = 	snop  }
__scs_overlays_trampoline_lowered:
0x8: {  	[smem:$0x3FAF] =	sst s0  }
0x9: {  	[smem:$0x3FB0] =	sst s1  }
0xa: {  	[smem:$0x3FB1] =	sst s2  }
0xb: {  	[smem:$0x3FB2] =	sst s3  }
0xc: {  	[smem:$0x3FB3] =	sst s4  }
0xd: {  	[smem:$0x3FB4] =	sst s5  }
0xe: {  	[smem:$0x3FB5] =	sst s6  }
0xf: {  	[smem:$0x3FB6] =	sst s7  }
0x10: {  	[smem:$0x3FB7] =	sst s8  }
0x11: {  	[smem:$0x3FB8] =	sst s9;
	s0 =	simm.s32 @!p0 $0x0  }
0x12: {  	s1 =	sld [smem:$0x3F9E];
	s0 =	simm.s32 @p0 $0x1  }
0x13: {  	[smem:$0x3FB9] =	sst s0;
	s0 =	simm.s32 @!p1 $0x0  }
0x14: {  	s2 =	sld [smem:$0x3F9D];
	s0 =	simm.s32 @p1 $0x1  }
0x15: {  	[smem:$0x3FBA] =	sst s0;
	s0 =	simm.s32 @!p2 $0x0  }
0x16: {  	s3 =	sld [smem:$0x3FDB];
	s0 =	simm.s32 @p2 $0x1  }
0x17: {  	s4 =	simm.s32 $0x1BF5;
	[smem:$0x3FBC] =	sst s0  }
0x18: {  	s0 =	sld [smem:$0x3F9F];
	_ =	swait.ge [sflag:s4], $0x0  }
0x19: {  	s7 =	sld [smem:$0x3FA0]  }
0x1a: {  	s8 =	sadd.s32 $0xFFFFE003, lr  }
0x1b: {  	s9 =	sadd.s32 $0xFFFFFEF7, lr;
	s5 =	simm.s32 $0xFFFFFFFF;
	p2 =	slt.u32 s8, $0xFFFFF086  }
0x1c: {  	p1 =	slt.u32 s9, $0xF7A;
	s5 =	simm.s32 @!p2 $0x0  }
0x1d: {  	s5 =	simm.s32 @p1 $0x1;
	p0 =	seq.s32 s7, s2  }
0x1e: {  	s7 =	smul.u32 @!p0 $0xF7A, s2;
	p2 =	seq.s32 @!p0 s5, $0x0  }
0x1f: {  	s9 =	smul.u32 $0xF7A, s1;
	s8 =	simm.s32 @!p0 $0x1BF5;
	p2 =	por !p2, p0  }
0x20: {  	[sflag:s8] =	ssyncset.s32 @!p0 $0xFFFFF086;
	s6 =	sadd.s32 @!p0 s3, s7;
	s7 =	simm.s32 @!p0 $0x108  }
0x21: {  	s3 =	sadd.s32 s3, s9;
	s6 =	sadd.s32 @!p0 $0x88, s6;
	s7 =	simm.s32 @p2 $0x1082  }
0x22: {  	[simem:s7], [sflag:s8] =	dma.local @!p0 [hbm:s6], $0xF7A  }
0x23: {  	s9 =	sor.u32 $0xD0000000, s2;
	s6 =	simm.s32 $0x108;
	_ =	swait.ge @!p0 [sflag:s8], $0x0  }
0x24: {  	s3 =	sadd.s32 $0x88, s3;
	s6 =	simm.s32 @!p1 $0x1082;
	[sflag:s4] =	ssyncset.s32 $0xFFFFF086  }
0x25: {  	[simem:s6], [sflag:s4] =	dma.local [hbm:s3], $0xF7A  }
0x26: {  	[smem:$0x3FA0] =	sst s1;
	(tag) =	ssettag s2;
	_ =	strace s9  }
0x27: {  	s1 =	sld [smem:$0x3FB0]  }
0x28: {  	s2 =	sld [smem:$0x3FB1]  }
0x29: {  	s4 =	sld [smem:$0x3FB3]  }
0x2a: {  	p0 =	seq.s32 s5, $0x0;
	s5 =	sld [smem:$0x3FB4]  }
0x2b: {  	s6 =	sld [smem:$0x3FB5]  }
0x2c: {  	s7 =	sld [smem:$0x3FB6]  }
0x2d: {  	s3 =	simm.s32 $0x108;
	s8 =	sld [smem:$0x3FB7]  }
0x2e: {  	s3 =	simm.s32 @!p0 $0x1082;
	s9 =	sld [smem:$0x3FB8]  }
0x2f: {  	lr =	sadd.s32 s0, s3;
	s0 =	sld [smem:$0x3FAF]  }
0x30: {  	s3 =	sld [smem:$0x3FB2]  }
0x31: {  	[smem:$0x3FBB] =	sst s10  }
0x32: {  	s10 =	sld [smem:$0x3FB9];
	_ =	sdelay $0x3  }
0x33: {  	p0 =	seq.s32 s10, $0x1;
	s10 =	sld [smem:$0x3FBB];
	_ =	sdelay $0x3  }
0x34: {  	[smem:$0x3FBB] =	sst s10  }
0x35: {  	s10 =	sld [smem:$0x3FBA];
	_ =	sdelay $0x3  }
0x36: {  	p1 =	seq.s32 s10, $0x1;
	s10 =	sld [smem:$0x3FBB];
	_ =	sdelay $0x3  }
0x37: {  	[smem:$0x3FBB] =	sst s10  }
0x38: {  	s10 =	sld [smem:$0x3FBC]  }
0x39: {  	_ = 	snop;
	(pc) =	sbr.ind lr, $3  }
0x3a: {  	_ = 	snop  }
0x3b: {  	_ = 	snop  }
0x3c: {  	p2 =	seq.s32 s10, $0x1;
	s10 =	sld [smem:$0x3FBB]  }
0x3d: {  	_ =	shalt  }
0x3e: {  	_ =	shalt  }
0x3f: {  	_ =	shalt  }
0x40: {  	_ =	shalt  }
0x41: {  	_ =	shalt  }
0x42: {  	_ =	shalt  }
0x43: {  	_ =	shalt  }
0x44: {  	_ =	shalt  }
0x45: {  	_ =	shalt  }
0x46: {  	_ =	shalt  }
0x47: {  	_ =	shalt  }
0x48: {  	_ =	shalt  }
0x49: {  	_ =	shalt  }
0x4a: {  	_ =	shalt  }
0x4b: {  	_ =	shalt  }
0x4c: {  	_ =	shalt  }
0x4d: {  	_ =	shalt  }
0x4e: {  	_ =	shalt  }
0x4f: {  	_ =	shalt  }
0x50: {  	_ =	shalt  }
0x51: {  	_ =	shalt  }
0x52: {  	_ =	shalt  }
0x53: {  	_ =	shalt  }
0x54: {  	_ =	shalt  }
0x55: {  	_ =	shalt  }
0x56: {  	_ =	shalt  }
0x57: {  	_ =	shalt  }
0x58: {  	_ =	shalt  }
0x59: {  	_ =	shalt  }
0x5a: {  	_ =	shalt  }
0x5b: {  	_ =	shalt  }
0x5c: {  	_ =	shalt  }
0x5d: {  	_ =	shalt  }
0x5e: {  	_ =	shalt  }
0x5f: {  	_ =	shalt  }
0x60: {  	_ =	shalt  }
0x61: {  	_ =	shalt  }
0x62: {  	_ =	shalt  }
0x63: {  	_ =	shalt  }
0x64: {  	_ =	shalt  }
0x65: {  	_ =	shalt  }
0x66: {  	_ =	shalt  }
0x67: {  	_ =	shalt  }
0x68: {  	_ =	shalt  }
0x69: {  	_ =	shalt  }
0x6a: {  	_ =	shalt  }
0x6b: {  	_ =	shalt  }
0x6c: {  	_ =	shalt  }
0x6d: {  	_ =	shalt  }
0x6e: {  	_ =	shalt  }
0x6f: {  	_ =	shalt  }
0x70: {  	_ =	shalt  }
0x71: {  	_ =	shalt  }
0x72: {  	_ =	shalt  }
0x73: {  	_ =	shalt  }
0x74: {  	_ =	shalt  }
0x75: {  	_ =	shalt  }
0x76: {  	_ =	shalt  }
0x77: {  	_ =	shalt  }
0x78: {  	_ =	shalt  }
0x79: {  	_ =	shalt  }
0x7a: {  	_ =	shalt  }
0x7b: {  	_ =	shalt  }
0x7c: {  	_ =	shalt  }
0x7d: {  	_ =	shalt  }
0x7e: {  	_ =	shalt  }
0x7f: {  	_ =	shalt  }
0x80: {  	_ =	shalt  }
0x81: {  	_ =	shalt  }
0x82: {  	_ =	shalt  }
0x83: {  	_ =	shalt  }
0x84: {  	_ =	shalt  }
0x85: {  	_ =	shalt  }
0x86: {  	_ =	shalt  }
0x87: {  	_ =	shalt  }
.Lfunc_end0:
.L_simem_size_0:
called_computation_lowered:
.L_overlay_start_0:
0x88: {  	s2 =	sld [smem:$0x3FD9]  }
0x89: {  	s3 =	sld [smem:$0x3FFE];
	_ =	sdelay $0x1  }
0x8a: {  	s1 =	srdreg.scid  }
0x8b: {  	s0 =	sand.u32 $0x1, s1  }
0x8c: {  	s14 =	sshll.u32 s0, $0xA;
	s2 =	sadd.s32 s3, s2  }
0x8d: {  	s2 =	sadd.s32 s2, s14  }
0x8e: {  	[smem:$0x3FC7] =	sst s2  }
0x8f: {  	_ = 	snop  }
0x90: {  	s2 =	sld [smem:$0x3FD0];
	_ =	sdelay $0x2  }
0x91: {  	s15 =	simm.s32 $0xA;
	s4 =	simm.s32 $0x10  }
0x92: {  	[smem:s4], [sflag:s15] =	dma.local [hbm:s2], $0x1  }
0x93: {  	_ =	swait.eq [sflag:s15], $0x1  }
0x94: {  	[sflag:s15] =	ssyncset.done $0x0  }
0x95: {  	[sflag:s15] =	ssyncadd.s32 $0xFFFFFFFF  }
0x96: {  	s16 =	sld [smem:$0x10];
	(tm) =	ssettm $0x1  }
0x97: {  	s17 =	sld [smem:$0x3FFB];
	_ =	sdelay $0x3  }
0x98: {  	_ =	strace s17  }
0x99: {  	s3 =	sld [smem:$0x3FFC];
	_ =	sdelay $0x3  }
0x9a: {  	_ =	strace s3  }
0x9b: {  	s3 =	sld [smem:$0x3FFD];
	_ =	sdelay $0x3  }
0x9c: {  	_ =	strace s3  }
0x9d: {  	_ =	strace $0x8FFFFFFF  }
0x9e: {  	s18 =	sld [smem:$0x3FDB];
	_ =	sdelay $0x1  }
0x9f: {  	s19 =	simm.s32 $_scs_section_size  }
0xa0: {  	s5 =	simm.s32 $_size__tile_overlayer_lowered;
	s6 =	simm.s32 $_tile_overlayer_lowered  }
0xa1: {  	s22 =	simm.s32 $0x1BFF;
	s21 =	sshll.u32 s6, $0x1;
	s3 =	sadd.s32 s19, s18  }
0xa2: {  	s7 =	simm.s32 $0x0;
	s20 =	sshll.u32 s5, $0x1;
	s5 =	sadd.s32 s21, s3  }
0xa3: {  	[timem:s7], [sflag:s22] =	dma.local [hbm:s5], s20  }
0xa4: {  	_ =	swait.ge [sflag:s22], s20  }
0xa5: {  	s4 =	ssub.s32 $0x0, s20;
	[sflag:s22] =	ssyncset.done $0x0  }
0xa6: {  	[sflag:s22] =	ssyncadd.s32 s4;
	_ =	sdelay $0x1  }
0xa7: {  	s23 =	simm.s32 $0x1B8B  }
0xa8: {  	_ =	swait.ge [sflag:s23], $0x1  }
0xa9: {  	[sflag:s23] =	ssyncset.done $0x0  }
0xaa: {  	s25 =	simm.s32 $0x1B8E;
	s24 =	sld [smem:$0x3FFE];
	[sflag:s23] =	ssyncadd.s32 $0xFFFFFFFF  }
0xab: {  	s26 =	simm.s32 $execute0_lowered;
	[smem:$0x3FD2] =	sst s25  }
0xac: {  	s5 =	sshll.u32 s26, $0x1;
	_ =	strace $0x80000046;
	[dreg:$0x1] =	wrdreg $0xFFFFFFFF  }
0xad: {  	s28 =	simm.s32 $_size_execute0_lowered;
	s3 =	sadd.s32 s3, s5;
	[dreg:$0x0] =	wrdreg $0x0  }
0xae: {  	s5 =	sshll.u32 s28, $0x1;
	[dreg:$0x2] =	wrdreg s3  }
0xaf: {  	[dreg:$0x3] =	wrdreg s5  }
0xb0: {  	[dreg:$0x4] =	wrdreg $0xC0  }
0xb1: {  	_ =	task [dreg:s7], $0x5FFFF  }
0xb2: {  	[dreg:$0x1] =	wrdreg $0xFFFFFFFF  }
0xb3: {  	[dreg:$0x0] =	wrdreg $0x60  }
0xb4: {  	[dreg:$0x2] =	wrdreg s16  }
0xb5: {  	[dreg:$0x3] =	wrdreg s24  }
0xb6: {  	[dreg:$0x4] =	wrdreg $0x9  }
0xb7: {  	_ =	task.clear_ibuf [dreg:s7], $0x5FFFF;
	_ =	strace $0x90000046  }
0xb8: {  	s29 =	simm.s32 $0x9;
	_ =	strace $0x80000048  }
0xb9: {  	_ =	swait.ge [sflag:s29], $0x1  }
0xba: {  	[sflag:s29] =	ssyncadd.s32 $0xFFFFFFFF  }
0xbb: {  	_ =	strace $0x90000048  }
0xbc: {  	_ =	sfence  }
0xbd: {  	s30 =	sld [smem:$0x0];
	_ =	sdelay $0x2  }
0xbe: {  	s31 =	sshll.u32 s1, $0xD;
	s1 =	sshrl.u32 s1, $0x2  }
0xbf: {  	s3 =	sand.u32 $0x4000, s31;
	s1 =	sadd.s32 s1, s30  }
0xc0: {  	s0 =	sor.u32 s3, s0;
	s1 =	sshll.u32 s1, $0x11  }
0xc1: {  	s0 =	sor.u32 s1, s0  }
0xc2: {  	s0 =	sadd.s32 $0x8F2B, s0  }
0xc3: {  	[sflag:s0] =	ssyncadd.remote.s32 $0x1  }
0xc4: {  	_ =	sfence.sel $0xFFFF  }
0xc5: {  	[dreg:$0x0] =	wrdreg $0xFFFFFFFF;
	(pc) =	sbr.abs _section_cstart, $3  }
0xc6: {  	[dreg:$0x1] =	wrdreg $0xFFFFFFFF  }
0xc7: {  	_ =	task.clear_ibuf [dreg:s7], $0x2FFFF;
	_ =	strace $0x9FFFFFFF  }
0xc8: {  	(tm) =	ssettm $0x7FFFFFFF  }
0xc9: {  	_ =	shalt  }
tec
execute0_lowered:
.L_overlay_start_1:
0x0: {  	(tag) =	ssettag $0x1  }
0x1: {  	s0 =	srdreg.scid;
	s3 =	rddreg [dreg:$0x0]  }
0x2: {  	s11 =	stileid.u32;
	s4 =	rddreg [dreg:$0x1]  }
0x3: {  	s16 =	simm.s32 $0x100;
	s17 =	simm.s32 $0x180;
	s19 =	simm.s32 $0x200  }
0x4: {  	s20 =	simm.s32 $0x280;
	s21 =	simm.s32 $0x300;
	s0 =	sand.u32 $0x1, s0  }
0x5: {  	s22 =	simm.s32 $0x380;
	s1 =	sshll.u32 s11, $0xD;
	s2 =	sshll.u32 s0, $0xC  }
0x6: {  	s6 =	simm.s32 $0x80;
	s1 =	sor.u32 s2, s1;
	s2 =	simm.s32 $0x0  }
0x7: {  	s23 =	simm.s32 $0x400;
	s24 =	simm.s32 $0x480;
	[smem:$0x7FF] =	sst s2  }
0x8: {  	s25 =	simm.s32 $0x500;
	_ =	strace $0x80000047;
	[dreg:$0xc] =	wrdreg s16  }
0x9: {  	s26 =	simm.s32 $0x580;
	s29 =	simm.s32 $0x600;
	[dreg:$0xd] =	wrdreg s17  }
0xa: {  	s30 =	simm.s32 $0x680;
	s31 =	simm.s32 $0x700;
	[dreg:$0xe] =	wrdreg s19  }
0xb: {  	s28 =	simm.s32 $0x980;
	s0 =	ssub.s32 $0x2, s0;
	[dreg:$0xf] =	wrdreg s20  }
0xc: {  	p0 =	por $0x0, $0x0;
	s18 =	sshrl.u32 s0, $0x1;
	[dreg:$0x10] =	wrdreg s21  }
0xd: {  	s5 =	sshrl.u32 s1, $0x3;
	s1 =	sshll.u32 s1, $0x2;
	[dreg:$0x11] =	wrdreg s22  }
0xe: {  	s0 =	ssub.s32 s0, s18;
	s18 =	simm.s32 $0xD00;
	[dreg:$0x12] =	wrdreg s23  }
0xf: {  	s5 =	sadd.s32 s5, s4;
	s1 =	sadd.s32 s1, s4;
	[dreg:$0x13] =	wrdreg s24  }
0x10: {  	s0 =	smax.u32 s0, $0x1;
	s4 =	simm.s32 $0x2;
	[dreg:$0x14] =	wrdreg s25  }
0x11: {  	[dreg:$0x15] =	wrdreg s26;
	s16 =	simm.s32 $0x780;
	s24 =	simm.s32 $0x800  }
0x12: {  	s25 =	simm.s32 $0x880;
	s26 =	simm.s32 $0x900;
	s7 =	sadd.s32 $0x200, s5  }
0x13: {  	s20 =	simm.s32 $0xA00;
	s8 =	sadd.s32 $0x4200, s1;
	[dreg:$0x3] =	wrdreg s7  }
0x14: {  	s21 =	simm.s32 $0xA80;
	s9 =	sadd.s32 $0x4A00, s1;
	[dreg:$0x4] =	wrdreg s8  }
0x15: {  	s22 =	simm.s32 $0xB00;
	s10 =	sadd.s32 $0x5200, s1;
	[dreg:$0x5] =	wrdreg s9  }
0x16: {  	s23 =	simm.s32 $0xB80;
	s12 =	sadd.s32 $0x5A00, s1;
	[dreg:$0x6] =	wrdreg s10  }
0x17: {  	s17 =	simm.s32 $0xC80;
	s13 =	sadd.s32 $0x6200, s1;
	[dreg:$0x7] =	wrdreg s12  }
0x18: {  	s19 =	simm.s32 $0xD80;
	s14 =	sadd.s32 $0x6A00, s1;
	[dreg:$0x8] =	wrdreg s13  }
0x19: {  	s15 =	sadd.s32 $0x7200, s1;
	p1 =	sne.s32 s0, $0x1;
	[dreg:$0x9] =	wrdreg s14  }
.Ltmp0:
0x1a: {  	s1 =	sadd.s32 $0x7A00, s1;
	[dreg:$0xa] =	wrdreg s15;
	(pc) =	sbr.rel @!p1 .LBB2_1-.Ltmp0, $4  }
0x1b: {  	s5 =	simm.s32 $0x1000;
	[dreg:$0xb] =	wrdreg s1;
	s8 =	simm.s32 $0x2000  }
0x1c: {  	s9 =	simm.s32 $0x3000;
	s10 =	simm.s32 $0x4000;
	s7 =	simm.s32 $0x1  }
0x1d: {  	s1 =	sadd.s32 $0xFFFFFFFF, s0;
	s12 =	simm.s32 $0xE00;
	s13 =	simm.s32 $0xE80  }
0x1e: {  	s14 =	simm.s32 $0xF00;
	s15 =	simm.s32 $0xF80;
	s0 =	rddreg [dreg:$0x3]  }
0x1f: {  	[tilespmem:s2], [sflag:$0x2] =	stream.linear.gather [hbm4b:s0+s2], $0x1000, $0x38;
	[tilespmem:$0x5000] =	vst v63  }
0x20: {  	_ =	swait.ge [sflag:s4], $0x1000  }
0x21: {  	[sflag:s4] =	ssyncset.done $0x0  }
0x22: {  	[sflag:s4] =	ssyncadd.s32 $0xFFFFF000  }
0x23: {  	[tilespmem:s5], [sflag:$0x1] =	stream.indirect.gather [hbm4b:s3+s6], $0x20, s2, s6, $0xb8;
	[tilespmem:$0x5000] =	vst v63  }
0x24: {  	_ = 	snop  }
0x25: {  	[tilespmem:s8], [sflag:$0x1] =	stream.indirect.gather [hbm4b:s3+s6], $0x20, s6, s6, $0xb8;
	[tilespmem:$0x5000] =	vst v63  }
0x26: {  	s0 =	rddreg [dreg:$0xc]  }
0x27: {  	[tilespmem:s9], [sflag:$0x1] =	stream.indirect.gather [hbm4b:s3+s6], $0x20, s0, s6, $0xb8;
	[tilespmem:$0x5000] =	vst v63  }
0x28: {  	s11 =	smov.u32 s1;
	s1 =	rddreg [dreg:$0xd]  }
0x29: {  	[tilespmem:s10], [sflag:$0x1] =	stream.indirect.gather [hbm4b:s3+s6], $0x20, s1, s6, $0xb8;
	[tilespmem:$0x5000] =	vst v63  }
0x2a: {  	_ =	swait.ge [sflag:s7], $0x1000  }
0x2b: {  	[sflag:s7] =	ssyncset.done $0x0  }
0x2c: {  	[sflag:s7] =	ssyncadd.s32 $0xFFFFF000  }
0x2d: {  	_ =	swait.ge [sflag:s7], $0x1000  }
0x2e: {  	[sflag:s7] =	ssyncset.done $0x0  }
0x2f: {  	[sflag:s7] =	ssyncadd.s32 $0xFFFFF000  }
0x30: {  	_ =	swait.ge [sflag:s7], $0x1000  }
0x31: {  	[sflag:s7] =	ssyncset.done $0x0  }
0x32: {  	[sflag:s7] =	ssyncadd.s32 $0xFFFFF000  }
0x33: {  	_ =	swait.ge [sflag:s7], $0x1000  }
0x34: {  	[sflag:s7] =	ssyncset.done $0x0  }
0x35: {  	s1 =	rddreg [dreg:$0x4];
	[sflag:s7] =	ssyncadd.s32 $0xFFFFF000  }
0x36: {  	[hbm4b:s1+s2] =	stream.linear.scatter [tilespmem:s5], [sflag:$0x2], $0x4000, $0x38;
	[tilespmem:$0x5000] =	vst v63  }
0x37: {  	_ =	swait.ge [sflag:s4], $0x4000  }
0x38: {  	[sflag:s4] =	ssyncset.done $0x0  }
0x39: {  	s0 =	rddreg [dreg:$0xe];
	[sflag:s4] =	ssyncadd.s32 $0xFFFFC000  }
0x3a: {  	[tilespmem:s5], [sflag:$0x1] =	stream.indirect.gather [hbm4b:s3+s6], $0x20, s0, s6, $0xb8;
	[tilespmem:$0x5000] =	vst v63  }
0x3b: {  	s1 =	rddreg [dreg:$0xf]  }
0x3c: {  	[tilespmem:s8], [sflag:$0x1] =	stream.indirect.gather [hbm4b:s3+s6], $0x20, s1, s6, $0xb8;
	[tilespmem:$0x5000] =	vst v63  }
0x3d: {  	s0 =	rddreg [dreg:$0x10]  }
0x3e: {  	[tilespmem:s9], [sflag:$0x1] =	stream.indirect.gather [hbm4b:s3+s6], $0x20, s0, s6, $0xb8;
	[tilespmem:$0x5000] =	vst v63  }
0x3f: {  	s1 =	rddreg [dreg:$0x11]  }
0x40: {  	[tilespmem:s10], [sflag:$0x1] =	stream.indirect.gather [hbm4b:s3+s6], $0x20, s1, s6, $0xb8;
	[tilespmem:$0x5000] =	vst v63  }
0x41: {  	_ =	swait.ge [sflag:s7], $0x1000  }
0x42: {  	[sflag:s7] =	ssyncset.done $0x0  }
0x43: {  	[sflag:s7] =	ssyncadd.s32 $0xFFFFF000  }
0x44: {  	_ =	swait.ge [sflag:s7], $0x1000  }
0x45: {  	[sflag:s7] =	ssyncset.done $0x0  }
0x46: {  	[sflag:s7] =	ssyncadd.s32 $0xFFFFF000  }
0x47: {  	_ =	swait.ge [sflag:s7], $0x1000  }
0x48: {  	[sflag:s7] =	ssyncset.done $0x0  }
0x49: {  	[sflag:s7] =	ssyncadd.s32 $0xFFFFF000  }
0x4a: {  	_ =	swait.ge [sflag:s7], $0x1000  }
0x4b: {  	[sflag:s7] =	ssyncset.done $0x0  }
0x4c: {  	s1 =	rddreg [dreg:$0x5];
	[sflag:s7] =	ssyncadd.s32 $0xFFFFF000  }
0x4d: {  	[hbm4b:s1+s2] =	stream.linear.scatter [tilespmem:s5], [sflag:$0x2], $0x4000, $0x38;
	[tilespmem:$0x5000] =	vst v63  }
0x4e: {  	_ =	swait.ge [sflag:s4], $0x4000  }
0x4f: {  	[sflag:s4] =	ssyncset.done $0x0  }
0x50: {  	s0 =	rddreg [dreg:$0x12];
	[sflag:s4] =	ssyncadd.s32 $0xFFFFC000  }
0x51: {  	[tilespmem:s5], [sflag:$0x1] =	stream.indirect.gather [hbm4b:s3+s6], $0x20, s0, s6, $0xb8;
	[tilespmem:$0x5000] =	vst v63  }
0x52: {  	s1 =	rddreg [dreg:$0x13]  }
0x53: {  	[tilespmem:s8], [sflag:$0x1] =	stream.indirect.gather [hbm4b:s3+s6], $0x20, s1, s6, $0xb8;
	[tilespmem:$0x5000] =	vst v63  }
0x54: {  	s0 =	rddreg [dreg:$0x14]  }
0x55: {  	[tilespmem:s9], [sflag:$0x1] =	stream.indirect.gather [hbm4b:s3+s6], $0x20, s0, s6, $0xb8;
	[tilespmem:$0x5000] =	vst v63  }
0x56: {  	s1 =	rddreg [dreg:$0x15]  }
0x57: {  	[tilespmem:s10], [sflag:$0x1] =	stream.indirect.gather [hbm4b:s3+s6], $0x20, s1, s6, $0xb8;
	[tilespmem:$0x5000] =	vst v63  }
0x58: {  	_ =	swait.ge [sflag:s7], $0x1000  }
0x59: {  	[sflag:s7] =	ssyncset.done $0x0  }
0x5a: {  	[sflag:s7] =	ssyncadd.s32 $0xFFFFF000  }
0x5b: {  	_ =	swait.ge [sflag:s7], $0x1000  }
0x5c: {  	[sflag:s7] =	ssyncset.done $0x0  }
0x5d: {  	[sflag:s7] =	ssyncadd.s32 $0xFFFFF000  }
0x5e: {  	_ =	swait.ge [sflag:s7], $0x1000  }
0x5f: {  	[sflag:s7] =	ssyncset.done $0x0  }
0x60: {  	[sflag:s7] =	ssyncadd.s32 $0xFFFFF000  }
0x61: {  	_ =	swait.ge [sflag:s7], $0x1000  }
0x62: {  	[sflag:s7] =	ssyncset.done $0x0  }
0x63: {  	s1 =	rddreg [dreg:$0x6];
	[sflag:s7] =	ssyncadd.s32 $0xFFFFF000  }
0x64: {  	[hbm4b:s1+s2] =	stream.linear.scatter [tilespmem:s5], [sflag:$0x2], $0x4000, $0x38;
	[tilespmem:$0x5000] =	vst v63  }
0x65: {  	_ =	swait.ge [sflag:s4], $0x4000  }
0x66: {  	[sflag:s4] =	ssyncset.done $0x0  }
0x67: {  	[sflag:s4] =	ssyncadd.s32 $0xFFFFC000  }
0x68: {  	[tilespmem:s5], [sflag:$0x1] =	stream.indirect.gather [hbm4b:s3+s6], $0x20, s29, s6, $0xb8;
	[tilespmem:$0x5000] =	vst v63  }
0x69: {  	_ = 	snop  }
0x6a: {  	[tilespmem:s8], [sflag:$0x1] =	stream.indirect.gather [hbm4b:s3+s6], $0x20, s30, s6, $0xb8;
	[tilespmem:$0x5000] =	vst v63  }
0x6b: {  	_ = 	snop  }
0x6c: {  	[tilespmem:s9], [sflag:$0x1] =	stream.indirect.gather [hbm4b:s3+s6], $0x20, s31, s6, $0xb8;
	[tilespmem:$0x5000] =	vst v63  }
0x6d: {  	_ = 	snop  }
0x6e: {  	[tilespmem:s10], [sflag:$0x1] =	stream.indirect.gather [hbm4b:s3+s6], $0x20, s16, s6, $0xb8;
	[tilespmem:$0x5000] =	vst v63  }
0x6f: {  	_ =	swait.ge [sflag:s7], $0x1000  }
0x70: {  	[sflag:s7] =	ssyncset.done $0x0  }
0x71: {  	[sflag:s7] =	ssyncadd.s32 $0xFFFFF000  }
0x72: {  	_ =	swait.ge [sflag:s7], $0x1000  }
0x73: {  	[sflag:s7] =	ssyncset.done $0x0  }
0x74: {  	[sflag:s7] =	ssyncadd.s32 $0xFFFFF000  }
0x75: {  	_ =	swait.ge [sflag:s7], $0x1000  }
0x76: {  	[sflag:s7] =	ssyncset.done $0x0  }
0x77: {  	[sflag:s7] =	ssyncadd.s32 $0xFFFFF000  }
0x78: {  	_ =	swait.ge [sflag:s7], $0x1000  }
0x79: {  	[sflag:s7] =	ssyncset.done $0x0  }
0x7a: {  	s1 =	rddreg [dreg:$0x7];
	[sflag:s7] =	ssyncadd.s32 $0xFFFFF000  }
0x7b: {  	[hbm4b:s1+s2] =	stream.linear.scatter [tilespmem:s5], [sflag:$0x2], $0x4000, $0x38;
	[tilespmem:$0x5000] =	vst v63  }
0x7c: {  	_ =	swait.ge [sflag:s4], $0x4000  }
0x7d: {  	[sflag:s4] =	ssyncset.done $0x0  }
0x7e: {  	[sflag:s4] =	ssyncadd.s32 $0xFFFFC000  }
0x7f: {  	[tilespmem:s5], [sflag:$0x1] =	stream.indirect.gather [hbm4b:s3+s6], $0x20, s24, s6, $0xb8;
	[tilespmem:$0x5000] =	vst v63  }
0x80: {  	_ = 	snop  }
0x81: {  	[tilespmem:s8], [sflag:$0x1] =	stream.indirect.gather [hbm4b:s3+s6], $0x20, s25, s6, $0xb8;
	[tilespmem:$0x5000] =	vst v63  }
0x82: {  	_ = 	snop  }
0x83: {  	[tilespmem:s9], [sflag:$0x1] =	stream.indirect.gather [hbm4b:s3+s6], $0x20, s26, s6, $0xb8;
	[tilespmem:$0x5000] =	vst v63  }
0x84: {  	_ = 	snop  }
0x85: {  	[tilespmem:s10], [sflag:$0x1] =	stream.indirect.gather [hbm4b:s3+s6], $0x20, s28, s6, $0xb8;
	[tilespmem:$0x5000] =	vst v63  }
0x86: {  	_ =	swait.ge [sflag:s7], $0x1000  }
0x87: {  	[sflag:s7] =	ssyncset.done $0x0  }
0x88: {  	[sflag:s7] =	ssyncadd.s32 $0xFFFFF000  }
0x89: {  	_ =	swait.ge [sflag:s7], $0x1000  }
0x8a: {  	[sflag:s7] =	ssyncset.done $0x0  }
0x8b: {  	[sflag:s7] =	ssyncadd.s32 $0xFFFFF000  }
0x8c: {  	_ =	swait.ge [sflag:s7], $0x1000  }
0x8d: {  	[sflag:s7] =	ssyncset.done $0x0  }
0x8e: {  	[sflag:s7] =	ssyncadd.s32 $0xFFFFF000  }
0x8f: {  	_ =	swait.ge [sflag:s7], $0x1000  }
0x90: {  	[sflag:s7] =	ssyncset.done $0x0  }
0x91: {  	s1 =	rddreg [dreg:$0x8];
	[sflag:s7] =	ssyncadd.s32 $0xFFFFF000  }
0x92: {  	[hbm4b:s1+s2] =	stream.linear.scatter [tilespmem:s5], [sflag:$0x2], $0x4000, $0x38;
	[tilespmem:$0x5000] =	vst v63  }
0x93: {  	_ =	swait.ge [sflag:s4], $0x4000  }
0x94: {  	[sflag:s4] =	ssyncset.done $0x0  }
0x95: {  	[sflag:s4] =	ssyncadd.s32 $0xFFFFC000  }
0x96: {  	[tilespmem:s5], [sflag:$0x1] =	stream.indirect.gather [hbm4b:s3+s6], $0x20, s20, s6, $0xb8;
	[tilespmem:$0x5000] =	vst v63  }
0x97: {  	_ = 	snop  }
0x98: {  	[tilespmem:s8], [sflag:$0x1] =	stream.indirect.gather [hbm4b:s3+s6], $0x20, s21, s6, $0xb8;
	[tilespmem:$0x5000] =	vst v63  }
0x99: {  	_ = 	snop  }
0x9a: {  	[tilespmem:s9], [sflag:$0x1] =	stream.indirect.gather [hbm4b:s3+s6], $0x20, s22, s6, $0xb8;
	[tilespmem:$0x5000] =	vst v63  }
0x9b: {  	_ = 	snop  }
0x9c: {  	[tilespmem:s10], [sflag:$0x1] =	stream.indirect.gather [hbm4b:s3+s6], $0x20, s23, s6, $0xb8;
	[tilespmem:$0x5000] =	vst v63  }
0x9d: {  	_ =	swait.ge [sflag:s7], $0x1000  }
0x9e: {  	[sflag:s7] =	ssyncset.done $0x0  }
0x9f: {  	[sflag:s7] =	ssyncadd.s32 $0xFFFFF000  }
0xa0: {  	_ =	swait.ge [sflag:s7], $0x1000  }
0xa1: {  	[sflag:s7] =	ssyncset.done $0x0  }
0xa2: {  	[sflag:s7] =	ssyncadd.s32 $0xFFFFF000  }
0xa3: {  	_ =	swait.ge [sflag:s7], $0x1000  }
0xa4: {  	[sflag:s7] =	ssyncset.done $0x0  }
0xa5: {  	[sflag:s7] =	ssyncadd.s32 $0xFFFFF000  }
0xa6: {  	_ =	swait.ge [sflag:s7], $0x1000  }
0xa7: {  	[sflag:s7] =	ssyncset.done $0x0  }
0xa8: {  	s1 =	rddreg [dreg:$0x9];
	[sflag:s7] =	ssyncadd.s32 $0xFFFFF000  }
0xa9: {  	[hbm4b:s1+s2] =	stream.linear.scatter [tilespmem:s5], [sflag:$0x2], $0x4000, $0x38;
	[tilespmem:$0x5000] =	vst v63  }
0xaa: {  	_ =	swait.ge [sflag:s4], $0x4000  }
0xab: {  	[sflag:s4] =	ssyncset.done $0x0  }
0xac: {  	s1 =	simm.s32 $0xC00;
	[sflag:s4] =	ssyncadd.s32 $0xFFFFC000  }
0xad: {  	[tilespmem:s5], [sflag:$0x1] =	stream.indirect.gather [hbm4b:s3+s6], $0x20, s1, s6, $0xb8;
	[tilespmem:$0x5000] =	vst v63  }
0xae: {  	_ = 	snop  }
0xaf: {  	[tilespmem:s8], [sflag:$0x1] =	stream.indirect.gather [hbm4b:s3+s6], $0x20, s17, s6, $0xb8;
	[tilespmem:$0x5000] =	vst v63  }
0xb0: {  	_ = 	snop  }
0xb1: {  	[tilespmem:s9], [sflag:$0x1] =	stream.indirect.gather [hbm4b:s3+s6], $0x20, s18, s6, $0xb8;
	[tilespmem:$0x5000] =	vst v63  }
0xb2: {  	_ = 	snop  }
0xb3: {  	[tilespmem:s10], [sflag:$0x1] =	stream.indirect.gather [hbm4b:s3+s6], $0x20, s19, s6, $0xb8;
	[tilespmem:$0x5000] =	vst v63  }
0xb4: {  	_ =	swait.ge [sflag:s7], $0x1000  }
0xb5: {  	[sflag:s7] =	ssyncset.done $0x0  }
0xb6: {  	[sflag:s7] =	ssyncadd.s32 $0xFFFFF000  }
0xb7: {  	_ =	swait.ge [sflag:s7], $0x1000  }
0xb8: {  	[sflag:s7] =	ssyncset.done $0x0  }
0xb9: {  	[sflag:s7] =	ssyncadd.s32 $0xFFFFF000  }
0xba: {  	_ =	swait.ge [sflag:s7], $0x1000  }
0xbb: {  	[sflag:s7] =	ssyncset.done $0x0  }
0xbc: {  	[sflag:s7] =	ssyncadd.s32 $0xFFFFF000  }
0xbd: {  	_ =	swait.ge [sflag:s7], $0x1000  }
0xbe: {  	[sflag:s7] =	ssyncset.done $0x0  }
0xbf: {  	s1 =	rddreg [dreg:$0xa];
	[sflag:s7] =	ssyncadd.s32 $0xFFFFF000  }
0xc0: {  	[hbm4b:s1+s2] =	stream.linear.scatter [tilespmem:s5], [sflag:$0x2], $0x4000, $0x38;
	[tilespmem:$0x5000] =	vst v63  }
0xc1: {  	_ =	swait.ge [sflag:s4], $0x4000  }
0xc2: {  	[sflag:s4] =	ssyncset.done $0x0  }
0xc3: {  	[sflag:s4] =	ssyncadd.s32 $0xFFFFC000  }
0xc4: {  	[tilespmem:s5], [sflag:$0x1] =	stream.indirect.gather [hbm4b:s3+s6], $0x20, s12, s6, $0xb8;
	[tilespmem:$0x5000] =	vst v63  }
0xc5: {  	_ = 	snop  }
0xc6: {  	[tilespmem:s8], [sflag:$0x1] =	stream.indirect.gather [hbm4b:s3+s6], $0x20, s13, s6, $0xb8;
	[tilespmem:$0x5000] =	vst v63  }
0xc7: {  	_ = 	snop  }
0xc8: {  	[tilespmem:s9], [sflag:$0x1] =	stream.indirect.gather [hbm4b:s3+s6], $0x20, s14, s6, $0xb8;
	[tilespmem:$0x5000] =	vst v63  }
0xc9: {  	_ = 	snop  }
0xca: {  	[tilespmem:s10], [sflag:$0x1] =	stream.indirect.gather [hbm4b:s3+s6], $0x20, s15, s6, $0xb8;
	[tilespmem:$0x5000] =	vst v63  }
0xcb: {  	_ =	swait.ge [sflag:s7], $0x1000  }
0xcc: {  	[sflag:s7] =	ssyncset.done $0x0  }
0xcd: {  	[sflag:s7] =	ssyncadd.s32 $0xFFFFF000  }
0xce: {  	_ =	swait.ge [sflag:s7], $0x1000  }
0xcf: {  	[sflag:s7] =	ssyncset.done $0x0  }
0xd0: {  	[sflag:s7] =	ssyncadd.s32 $0xFFFFF000  }
0xd1: {  	_ =	swait.ge [sflag:s7], $0x1000  }
0xd2: {  	[sflag:s7] =	ssyncset.done $0x0  }
0xd3: {  	[sflag:s7] =	ssyncadd.s32 $0xFFFFF000  }
0xd4: {  	p1 =	sne.s32 s11, $0x1;
	_ =	swait.ge [sflag:s7], $0x1000  }
.Ltmp1:
0xd5: {  	[sflag:s7] =	ssyncset.done $0x0;
	(pc) =	sbr.rel @!p1 .LBB2_3-.Ltmp1, $4  }
0xd6: {  	s1 =	rddreg [dreg:$0xb];
	[sflag:s7] =	ssyncadd.s32 $0xFFFFF000  }
0xd7: {  	[hbm4b:s1+s2] =	stream.linear.scatter [tilespmem:s5], [sflag:$0x2], $0x4000, $0x38;
	[tilespmem:$0x5000] =	vst v63  }
0xd8: {  	p0 =	por $0x1, $0x1;
	_ =	swait.ge [sflag:s4], $0x4000  }
0xd9: {  	s1 =	sadd.s32 $0xFFFFFFFF, s11;
	s0 =	rddreg [dreg:$0x3];
	[sflag:s4] =	ssyncset.done $0x0  }
.LBB2_4:
0xda: {  	[sflag:s4] =	ssyncadd.s32 $0xFFFFC000  }
0xdb: {  	[tilespmem:s2], [sflag:$0x2] =	stream.linear.gather [hbm4b:s0+s2], $0x1000, $0x38;
	[tilespmem:$0x5000] =	vst v63  }
0xdc: {  	_ =	swait.ge [sflag:s4], $0x1000  }
0xdd: {  	[sflag:s4] =	ssyncset.done $0x0  }
0xde: {  	[sflag:s4] =	ssyncadd.s32 $0xFFFFF000  }
0xdf: {  	[tilespmem:s5], [sflag:$0x1] =	stream.indirect.gather [hbm4b:s3+s6], $0x20, s2, s6, $0xb8;
	[tilespmem:$0x5000] =	vst v63  }
0xe0: {  	_ = 	snop  }
0xe1: {  	[tilespmem:s8], [sflag:$0x1] =	stream.indirect.gather [hbm4b:s3+s6], $0x20, s6, s6, $0xb8;
	[tilespmem:$0x5000] =	vst v63  }
0xe2: {  	s0 =	rddreg [dreg:$0xc]  }
0xe3: {  	[tilespmem:s9], [sflag:$0x1] =	stream.indirect.gather [hbm4b:s3+s6], $0x20, s0, s6, $0xb8;
	[tilespmem:$0x5000] =	vst v63  }
0xe4: {  	s11 =	rddreg [dreg:$0xd]  }
0xe5: {  	[tilespmem:s10], [sflag:$0x1] =	stream.indirect.gather [hbm4b:s3+s6], $0x20, s11, s6, $0xb8;
	[tilespmem:$0x5000] =	vst v63  }
0xe6: {  	_ =	swait.ge [sflag:s7], $0x1000  }
0xe7: {  	[sflag:s7] =	ssyncset.done $0x0  }
0xe8: {  	[sflag:s7] =	ssyncadd.s32 $0xFFFFF000  }
0xe9: {  	_ =	swait.ge [sflag:s7], $0x1000  }
0xea: {  	[sflag:s7] =	ssyncset.done $0x0  }
0xeb: {  	[sflag:s7] =	ssyncadd.s32 $0xFFFFF000  }
0xec: {  	_ =	swait.ge [sflag:s7], $0x1000  }
0xed: {  	[sflag:s7] =	ssyncset.done $0x0  }
0xee: {  	[sflag:s7] =	ssyncadd.s32 $0xFFFFF000  }
0xef: {  	_ =	swait.ge [sflag:s7], $0x1000  }
0xf0: {  	[sflag:s7] =	ssyncset.done $0x0  }
0xf1: {  	s11 =	rddreg [dreg:$0x4];
	[sflag:s7] =	ssyncadd.s32 $0xFFFFF000  }
0xf2: {  	[hbm4b:s11+s2] =	stream.linear.scatter [tilespmem:s5], [sflag:$0x2], $0x4000, $0x38;
	[tilespmem:$0x5000] =	vst v63  }
0xf3: {  	_ =	swait.ge [sflag:s4], $0x4000  }
0xf4: {  	[sflag:s4] =	ssyncset.done $0x0  }
0xf5: {  	s0 =	rddreg [dreg:$0xe];
	[sflag:s4] =	ssyncadd.s32 $0xFFFFC000  }
0xf6: {  	[tilespmem:s5], [sflag:$0x1] =	stream.indirect.gather [hbm4b:s3+s6], $0x20, s0, s6, $0xb8;
	[tilespmem:$0x5000] =	vst v63  }
0xf7: {  	s11 =	rddreg [dreg:$0xf]  }
0xf8: {  	[tilespmem:s8], [sflag:$0x1] =	stream.indirect.gather [hbm4b:s3+s6], $0x20, s11, s6, $0xb8;
	[tilespmem:$0x5000] =	vst v63  }
0xf9: {  	s0 =	rddreg [dreg:$0x10]  }
0xfa: {  	[tilespmem:s9], [sflag:$0x1] =	stream.indirect.gather [hbm4b:s3+s6], $0x20, s0, s6, $0xb8;
	[tilespmem:$0x5000] =	vst v63  }
0xfb: {  	s11 =	rddreg [dreg:$0x11]  }
0xfc: {  	[tilespmem:s10], [sflag:$0x1] =	stream.indirect.gather [hbm4b:s3+s6], $0x20, s11, s6, $0xb8;
	[tilespmem:$0x5000] =	vst v63  }
0xfd: {  	_ =	swait.ge [sflag:s7], $0x1000  }
0xfe: {  	[sflag:s7] =	ssyncset.done $0x0  }
0xff: {  	[sflag:s7] =	ssyncadd.s32 $0xFFFFF000  }
0x100: {  	_ =	swait.ge [sflag:s7], $0x1000  }
0x101: {  	[sflag:s7] =	ssyncset.done $0x0  }
0x102: {  	[sflag:s7] =	ssyncadd.s32 $0xFFFFF000  }
0x103: {  	_ =	swait.ge [sflag:s7], $0x1000  }
0x104: {  	[sflag:s7] =	ssyncset.done $0x0  }
0x105: {  	[sflag:s7] =	ssyncadd.s32 $0xFFFFF000  }
0x106: {  	_ =	swait.ge [sflag:s7], $0x1000  }
0x107: {  	[sflag:s7] =	ssyncset.done $0x0  }
0x108: {  	s11 =	rddreg [dreg:$0x5];
	[sflag:s7] =	ssyncadd.s32 $0xFFFFF000  }
0x109: {  	[hbm4b:s11+s2] =	stream.linear.scatter [tilespmem:s5], [sflag:$0x2], $0x4000, $0x38;
	[tilespmem:$0x5000] =	vst v63  }
0x10a: {  	_ =	swait.ge [sflag:s4], $0x4000  }
0x10b: {  	[sflag:s4] =	ssyncset.done $0x0  }
0x10c: {  	s0 =	rddreg [dreg:$0x12];
	[sflag:s4] =	ssyncadd.s32 $0xFFFFC000  }
0x10d: {  	[tilespmem:s5], [sflag:$0x1] =	stream.indirect.gather [hbm4b:s3+s6], $0x20, s0, s6, $0xb8;
	[tilespmem:$0x5000] =	vst v63  }
0x10e: {  	s11 =	rddreg [dreg:$0x13]  }
0x10f: {  	[tilespmem:s8], [sflag:$0x1] =	stream.indirect.gather [hbm4b:s3+s6], $0x20, s11, s6, $0xb8;
	[tilespmem:$0x5000] =	vst v63  }
0x110: {  	s0 =	rddreg [dreg:$0x14]  }
0x111: {  	[tilespmem:s9], [sflag:$0x1] =	stream.indirect.gather [hbm4b:s3+s6], $0x20, s0, s6, $0xb8;
	[tilespmem:$0x5000] =	vst v63  }
0x112: {  	s11 =	rddreg [dreg:$0x15]  }
0x113: {  	[tilespmem:s10], [sflag:$0x1] =	stream.indirect.gather [hbm4b:s3+s6], $0x20, s11, s6, $0xb8;
	[tilespmem:$0x5000] =	vst v63  }
0x114: {  	_ =	swait.ge [sflag:s7], $0x1000  }
0x115: {  	[sflag:s7] =	ssyncset.done $0x0  }
0x116: {  	[sflag:s7] =	ssyncadd.s32 $0xFFFFF000  }
0x117: {  	_ =	swait.ge [sflag:s7], $0x1000  }
0x118: {  	[sflag:s7] =	ssyncset.done $0x0  }
0x119: {  	[sflag:s7] =	ssyncadd.s32 $0xFFFFF000  }
0x11a: {  	_ =	swait.ge [sflag:s7], $0x1000  }
0x11b: {  	[sflag:s7] =	ssyncset.done $0x0  }
0x11c: {  	[sflag:s7] =	ssyncadd.s32 $0xFFFFF000  }
0x11d: {  	_ =	swait.ge [sflag:s7], $0x1000  }
0x11e: {  	[sflag:s7] =	ssyncset.done $0x0  }
0x11f: {  	s11 =	rddreg [dreg:$0x6];
	[sflag:s7] =	ssyncadd.s32 $0xFFFFF000  }
0x120: {  	[hbm4b:s11+s2] =	stream.linear.scatter [tilespmem:s5], [sflag:$0x2], $0x4000, $0x38;
	[tilespmem:$0x5000] =	vst v63  }
0x121: {  	_ =	swait.ge [sflag:s4], $0x4000  }
0x122: {  	[sflag:s4] =	ssyncset.done $0x0  }
0x123: {  	[sflag:s4] =	ssyncadd.s32 $0xFFFFC000  }
0x124: {  	[tilespmem:s5], [sflag:$0x1] =	stream.indirect.gather [hbm4b:s3+s6], $0x20, s29, s6, $0xb8;
	[tilespmem:$0x5000] =	vst v63  }
0x125: {  	_ = 	snop  }
0x126: {  	[tilespmem:s8], [sflag:$0x1] =	stream.indirect.gather [hbm4b:s3+s6], $0x20, s30, s6, $0xb8;
	[tilespmem:$0x5000] =	vst v63  }
0x127: {  	_ = 	snop  }
0x128: {  	[tilespmem:s9], [sflag:$0x1] =	stream.indirect.gather [hbm4b:s3+s6], $0x20, s31, s6, $0xb8;
	[tilespmem:$0x5000] =	vst v63  }
0x129: {  	_ = 	snop  }
0x12a: {  	[tilespmem:s10], [sflag:$0x1] =	stream.indirect.gather [hbm4b:s3+s6], $0x20, s16, s6, $0xb8;
	[tilespmem:$0x5000] =	vst v63  }
0x12b: {  	_ =	swait.ge [sflag:s7], $0x1000  }
0x12c: {  	[sflag:s7] =	ssyncset.done $0x0  }
0x12d: {  	[sflag:s7] =	ssyncadd.s32 $0xFFFFF000  }
0x12e: {  	_ =	swait.ge [sflag:s7], $0x1000  }
0x12f: {  	[sflag:s7] =	ssyncset.done $0x0  }
0x130: {  	[sflag:s7] =	ssyncadd.s32 $0xFFFFF000  }
0x131: {  	_ =	swait.ge [sflag:s7], $0x1000  }
0x132: {  	[sflag:s7] =	ssyncset.done $0x0  }
0x133: {  	[sflag:s7] =	ssyncadd.s32 $0xFFFFF000  }
0x134: {  	_ =	swait.ge [sflag:s7], $0x1000  }
0x135: {  	[sflag:s7] =	ssyncset.done $0x0  }
0x136: {  	s11 =	rddreg [dreg:$0x7];
	[sflag:s7] =	ssyncadd.s32 $0xFFFFF000  }
0x137: {  	[hbm4b:s11+s2] =	stream.linear.scatter [tilespmem:s5], [sflag:$0x2], $0x4000, $0x38;
	[tilespmem:$0x5000] =	vst v63  }
0x138: {  	_ =	swait.ge [sflag:s4], $0x4000  }
0x139: {  	[sflag:s4] =	ssyncset.done $0x0  }
0x13a: {  	[sflag:s4] =	ssyncadd.s32 $0xFFFFC000  }
0x13b: {  	[tilespmem:s5], [sflag:$0x1] =	stream.indirect.gather [hbm4b:s3+s6], $0x20, s24, s6, $0xb8;
	[tilespmem:$0x5000] =	vst v63  }
0x13c: {  	_ = 	snop  }
0x13d: {  	[tilespmem:s8], [sflag:$0x1] =	stream.indirect.gather [hbm4b:s3+s6], $0x20, s25, s6, $0xb8;
	[tilespmem:$0x5000] =	vst v63  }
0x13e: {  	_ = 	snop  }
0x13f: {  	[tilespmem:s9], [sflag:$0x1] =	stream.indirect.gather [hbm4b:s3+s6], $0x20, s26, s6, $0xb8;
	[tilespmem:$0x5000] =	vst v63  }
0x140: {  	_ = 	snop  }
0x141: {  	[tilespmem:s10], [sflag:$0x1] =	stream.indirect.gather [hbm4b:s3+s6], $0x20, s28, s6, $0xb8;
	[tilespmem:$0x5000] =	vst v63  }
0x142: {  	_ =	swait.ge [sflag:s7], $0x1000  }
0x143: {  	[sflag:s7] =	ssyncset.done $0x0  }
0x144: {  	[sflag:s7] =	ssyncadd.s32 $0xFFFFF000  }
0x145: {  	_ =	swait.ge [sflag:s7], $0x1000  }
0x146: {  	[sflag:s7] =	ssyncset.done $0x0  }
0x147: {  	[sflag:s7] =	ssyncadd.s32 $0xFFFFF000  }
0x148: {  	_ =	swait.ge [sflag:s7], $0x1000  }
0x149: {  	[sflag:s7] =	ssyncset.done $0x0  }
0x14a: {  	[sflag:s7] =	ssyncadd.s32 $0xFFFFF000  }
0x14b: {  	_ =	swait.ge [sflag:s7], $0x1000  }
0x14c: {  	[sflag:s7] =	ssyncset.done $0x0  }
0x14d: {  	s11 =	rddreg [dreg:$0x8];
	[sflag:s7] =	ssyncadd.s32 $0xFFFFF000  }
0x14e: {  	[hbm4b:s11+s2] =	stream.linear.scatter [tilespmem:s5], [sflag:$0x2], $0x4000, $0x38;
	[tilespmem:$0x5000] =	vst v63  }
0x14f: {  	_ =	swait.ge [sflag:s4], $0x4000  }
0x150: {  	[sflag:s4] =	ssyncset.done $0x0  }
0x151: {  	[sflag:s4] =	ssyncadd.s32 $0xFFFFC000  }
0x152: {  	[tilespmem:s5], [sflag:$0x1] =	stream.indirect.gather [hbm4b:s3+s6], $0x20, s20, s6, $0xb8;
	[tilespmem:$0x5000] =	vst v63  }
0x153: {  	_ = 	snop  }
0x154: {  	[tilespmem:s8], [sflag:$0x1] =	stream.indirect.gather [hbm4b:s3+s6], $0x20, s21, s6, $0xb8;
	[tilespmem:$0x5000] =	vst v63  }
0x155: {  	_ = 	snop  }
0x156: {  	[tilespmem:s9], [sflag:$0x1] =	stream.indirect.gather [hbm4b:s3+s6], $0x20, s22, s6, $0xb8;
	[tilespmem:$0x5000] =	vst v63  }
0x157: {  	_ = 	snop  }
0x158: {  	[tilespmem:s10], [sflag:$0x1] =	stream.indirect.gather [hbm4b:s3+s6], $0x20, s23, s6, $0xb8;
	[tilespmem:$0x5000] =	vst v63  }
0x159: {  	_ =	swait.ge [sflag:s7], $0x1000  }
0x15a: {  	[sflag:s7] =	ssyncset.done $0x0  }
0x15b: {  	[sflag:s7] =	ssyncadd.s32 $0xFFFFF000  }
0x15c: {  	_ =	swait.ge [sflag:s7], $0x1000  }
0x15d: {  	[sflag:s7] =	ssyncset.done $0x0  }
0x15e: {  	[sflag:s7] =	ssyncadd.s32 $0xFFFFF000  }
0x15f: {  	_ =	swait.ge [sflag:s7], $0x1000  }
0x160: {  	[sflag:s7] =	ssyncset.done $0x0  }
0x161: {  	[sflag:s7] =	ssyncadd.s32 $0xFFFFF000  }
0x162: {  	_ =	swait.ge [sflag:s7], $0x1000  }
0x163: {  	[sflag:s7] =	ssyncset.done $0x0  }
0x164: {  	s11 =	rddreg [dreg:$0x9];
	[sflag:s7] =	ssyncadd.s32 $0xFFFFF000  }
0x165: {  	[hbm4b:s11+s2] =	stream.linear.scatter [tilespmem:s5], [sflag:$0x2], $0x4000, $0x38;
	[tilespmem:$0x5000] =	vst v63  }
0x166: {  	_ =	swait.ge [sflag:s4], $0x4000  }
0x167: {  	[sflag:s4] =	ssyncset.done $0x0  }
0x168: {  	s11 =	simm.s32 $0xC00;
	[sflag:s4] =	ssyncadd.s32 $0xFFFFC000  }
0x169: {  	[tilespmem:s5], [sflag:$0x1] =	stream.indirect.gather [hbm4b:s3+s6], $0x20, s11, s6, $0xb8;
	[tilespmem:$0x5000] =	vst v63  }
0x16a: {  	_ = 	snop  }
0x16b: {  	[tilespmem:s8], [sflag:$0x1] =	stream.indirect.gather [hbm4b:s3+s6], $0x20, s17, s6, $0xb8;
	[tilespmem:$0x5000] =	vst v63  }
0x16c: {  	_ = 	snop  }
0x16d: {  	[tilespmem:s9], [sflag:$0x1] =	stream.indirect.gather [hbm4b:s3+s6], $0x20, s18, s6, $0xb8;
	[tilespmem:$0x5000] =	vst v63  }
0x16e: {  	_ = 	snop  }
0x16f: {  	[tilespmem:s10], [sflag:$0x1] =	stream.indirect.gather [hbm4b:s3+s6], $0x20, s19, s6, $0xb8;
	[tilespmem:$0x5000] =	vst v63  }
0x170: {  	_ =	swait.ge [sflag:s7], $0x1000  }
0x171: {  	[sflag:s7] =	ssyncset.done $0x0  }
0x172: {  	[sflag:s7] =	ssyncadd.s32 $0xFFFFF000  }
0x173: {  	_ =	swait.ge [sflag:s7], $0x1000  }
0x174: {  	[sflag:s7] =	ssyncset.done $0x0  }
0x175: {  	[sflag:s7] =	ssyncadd.s32 $0xFFFFF000  }
0x176: {  	_ =	swait.ge [sflag:s7], $0x1000  }
0x177: {  	[sflag:s7] =	ssyncset.done $0x0  }
0x178: {  	[sflag:s7] =	ssyncadd.s32 $0xFFFFF000  }
0x179: {  	_ =	swait.ge [sflag:s7], $0x1000  }
0x17a: {  	[sflag:s7] =	ssyncset.done $0x0  }
0x17b: {  	s11 =	rddreg [dreg:$0xa];
	[sflag:s7] =	ssyncadd.s32 $0xFFFFF000  }
0x17c: {  	[hbm4b:s11+s2] =	stream.linear.scatter [tilespmem:s5], [sflag:$0x2], $0x4000, $0x38;
	[tilespmem:$0x5000] =	vst v63  }
0x17d: {  	_ =	swait.ge [sflag:s4], $0x4000  }
0x17e: {  	[sflag:s4] =	ssyncset.done $0x0  }
0x17f: {  	[sflag:s4] =	ssyncadd.s32 $0xFFFFC000  }
0x180: {  	[tilespmem:s5], [sflag:$0x1] =	stream.indirect.gather [hbm4b:s3+s6], $0x20, s12, s6, $0xb8;
	[tilespmem:$0x5000] =	vst v63  }
0x181: {  	_ = 	snop  }
0x182: {  	[tilespmem:s8], [sflag:$0x1] =	stream.indirect.gather [hbm4b:s3+s6], $0x20, s13, s6, $0xb8;
	[tilespmem:$0x5000] =	vst v63  }
0x183: {  	_ = 	snop  }
0x184: {  	[tilespmem:s9], [sflag:$0x1] =	stream.indirect.gather [hbm4b:s3+s6], $0x20, s14, s6, $0xb8;
	[tilespmem:$0x5000] =	vst v63  }
0x185: {  	_ = 	snop  }
0x186: {  	[tilespmem:s10], [sflag:$0x1] =	stream.indirect.gather [hbm4b:s3+s6], $0x20, s15, s6, $0xb8;
	[tilespmem:$0x5000] =	vst v63  }
0x187: {  	_ =	swait.ge [sflag:s7], $0x1000  }
0x188: {  	[sflag:s7] =	ssyncset.done $0x0  }
0x189: {  	[sflag:s7] =	ssyncadd.s32 $0xFFFFF000  }
0x18a: {  	_ =	swait.ge [sflag:s7], $0x1000  }
0x18b: {  	[sflag:s7] =	ssyncset.done $0x0  }
0x18c: {  	[sflag:s7] =	ssyncadd.s32 $0xFFFFF000  }
0x18d: {  	_ =	swait.ge [sflag:s7], $0x1000  }
0x18e: {  	[sflag:s7] =	ssyncset.done $0x0  }
0x18f: {  	[sflag:s7] =	ssyncadd.s32 $0xFFFFF000  }
0x190: {  	p1 =	sne.s32 s1, $0x1;
	_ =	swait.ge [sflag:s7], $0x1000  }
.Ltmp2:
0x191: {  	[sflag:s7] =	ssyncset.done $0x0;
	(pc) =	sbr.rel @p1 .LBB2_4-.Ltmp2, $4  }
0x192: {  	s11 =	rddreg [dreg:$0xb];
	[sflag:s7] =	ssyncadd.s32 $0xFFFFF000  }
0x193: {  	[hbm4b:s11+s2] =	stream.linear.scatter [tilespmem:s5], [sflag:$0x2], $0x4000, $0x38;
	[tilespmem:$0x5000] =	vst v63  }
0x194: {  	_ =	swait.ge [sflag:s4], $0x4000  }
0x195: {  	s1 =	sadd.s32 $0xFFFFFFFF, s1;
	s0 =	rddreg [dreg:$0x3];
	[sflag:s4] =	ssyncset.done $0x0  }
0x196: {  	s15 =	simm.s32 $0x780;
	s31 =	simm.s32 $0x700  }
0x197: {  	s30 =	simm.s32 $0x680;
	s29 =	simm.s32 $0x600;
	s28 =	simm.s32 $0x980  }
0x198: {  	s26 =	simm.s32 $0x900;
	s25 =	simm.s32 $0x880;
	s24 =	simm.s32 $0x800  }
0x199: {  	s23 =	simm.s32 $0xB80;
	s22 =	simm.s32 $0xB00;
	s21 =	simm.s32 $0xA80  }
0x19a: {  	s20 =	simm.s32 $0xA00;
	s19 =	simm.s32 $0xD80;
	s18 =	simm.s32 $0xD00  }
0x19b: {  	s17 =	simm.s32 $0xC80;
	s16 =	simm.s32 $0xC00;
	s14 =	simm.s32 $0xF00  }
0x19c: {  	s13 =	simm.s32 $0xE80;
	s12 =	simm.s32 $0xE00;
	s11 =	stileid.u32  }
.LBB2_6:
0x19d: {  	[sflag:s4] =	ssyncadd.s32 @p0 $0xFFFFC000  }
0x19e: {  	[tilespmem:s2], [sflag:$0x2] =	stream.linear.gather [hbm4b:s0+s2], $0x1000, $0x38;
	[tilespmem:$0x5000] =	vst v63  }
0x19f: {  	_ =	swait.ge [sflag:s4], $0x1000  }
0x1a0: {  	[sflag:s4] =	ssyncset.done $0x0  }
0x1a1: {  	[sflag:s4] =	ssyncadd.s32 $0xFFFFF000  }
0x1a2: {  	[tilespmem:s5], [sflag:$0x1] =	stream.indirect.gather [hbm4b:s3+s6], $0x20, s2, s6, $0xb8;
	[tilespmem:$0x5000] =	vst v63  }
0x1a3: {  	_ = 	snop  }
0x1a4: {  	[tilespmem:s8], [sflag:$0x1] =	stream.indirect.gather [hbm4b:s3+s6], $0x20, s6, s6, $0xb8;
	[tilespmem:$0x5000] =	vst v63  }
0x1a5: {  	s0 =	rddreg [dreg:$0xc]  }
0x1a6: {  	[tilespmem:s9], [sflag:$0x1] =	stream.indirect.gather [hbm4b:s3+s6], $0x20, s0, s6, $0xb8;
	[tilespmem:$0x5000] =	vst v63  }
0x1a7: {  	s1 =	rddreg [dreg:$0xd]  }
0x1a8: {  	[tilespmem:s10], [sflag:$0x1] =	stream.indirect.gather [hbm4b:s3+s6], $0x20, s1, s6, $0xb8;
	[tilespmem:$0x5000] =	vst v63  }
0x1a9: {  	_ =	swait.ge [sflag:s7], $0x1000  }
0x1aa: {  	[sflag:s7] =	ssyncset.done $0x0  }
0x1ab: {  	[sflag:s7] =	ssyncadd.s32 $0xFFFFF000  }
0x1ac: {  	_ =	swait.ge [sflag:s7], $0x1000  }
0x1ad: {  	[sflag:s7] =	ssyncset.done $0x0  }
0x1ae: {  	[sflag:s7] =	ssyncadd.s32 $0xFFFFF000  }
0x1af: {  	_ =	swait.ge [sflag:s7], $0x1000  }
0x1b0: {  	[sflag:s7] =	ssyncset.done $0x0  }
0x1b1: {  	[sflag:s7] =	ssyncadd.s32 $0xFFFFF000  }
0x1b2: {  	_ =	swait.ge [sflag:s7], $0x1000  }
0x1b3: {  	[sflag:s7] =	ssyncset.done $0x0  }
0x1b4: {  	s1 =	rddreg [dreg:$0x4];
	[sflag:s7] =	ssyncadd.s32 $0xFFFFF000  }
0x1b5: {  	[hbm4b:s1+s2] =	stream.linear.scatter [tilespmem:s5], [sflag:$0x2], $0x4000, $0x38;
	[tilespmem:$0x5000] =	vst v63  }
0x1b6: {  	_ =	swait.ge [sflag:s4], $0x4000  }
0x1b7: {  	[sflag:s4] =	ssyncset.done $0x0  }
0x1b8: {  	s0 =	rddreg [dreg:$0xe];
	[sflag:s4] =	ssyncadd.s32 $0xFFFFC000  }
0x1b9: {  	[tilespmem:s5], [sflag:$0x1] =	stream.indirect.gather [hbm4b:s3+s6], $0x20, s0, s6, $0xb8;
	[tilespmem:$0x5000] =	vst v63  }
0x1ba: {  	s1 =	rddreg [dreg:$0xf]  }
0x1bb: {  	[tilespmem:s8], [sflag:$0x1] =	stream.indirect.gather [hbm4b:s3+s6], $0x20, s1, s6, $0xb8;
	[tilespmem:$0x5000] =	vst v63  }
0x1bc: {  	s0 =	rddreg [dreg:$0x10]  }
0x1bd: {  	[tilespmem:s9], [sflag:$0x1] =	stream.indirect.gather [hbm4b:s3+s6], $0x20, s0, s6, $0xb8;
	[tilespmem:$0x5000] =	vst v63  }
0x1be: {  	s1 =	rddreg [dreg:$0x11]  }
0x1bf: {  	[tilespmem:s10], [sflag:$0x1] =	stream.indirect.gather [hbm4b:s3+s6], $0x20, s1, s6, $0xb8;
	[tilespmem:$0x5000] =	vst v63  }
0x1c0: {  	_ =	swait.ge [sflag:s7], $0x1000  }
0x1c1: {  	[sflag:s7] =	ssyncset.done $0x0  }
0x1c2: {  	[sflag:s7] =	ssyncadd.s32 $0xFFFFF000  }
0x1c3: {  	_ =	swait.ge [sflag:s7], $0x1000  }
0x1c4: {  	[sflag:s7] =	ssyncset.done $0x0  }
0x1c5: {  	[sflag:s7] =	ssyncadd.s32 $0xFFFFF000  }
0x1c6: {  	_ =	swait.ge [sflag:s7], $0x1000  }
0x1c7: {  	[sflag:s7] =	ssyncset.done $0x0  }
0x1c8: {  	[sflag:s7] =	ssyncadd.s32 $0xFFFFF000  }
0x1c9: {  	_ =	swait.ge [sflag:s7], $0x1000  }
0x1ca: {  	[sflag:s7] =	ssyncset.done $0x0  }
0x1cb: {  	s1 =	rddreg [dreg:$0x5];
	[sflag:s7] =	ssyncadd.s32 $0xFFFFF000  }
0x1cc: {  	[hbm4b:s1+s2] =	stream.linear.scatter [tilespmem:s5], [sflag:$0x2], $0x4000, $0x38;
	[tilespmem:$0x5000] =	vst v63  }
0x1cd: {  	_ =	swait.ge [sflag:s4], $0x4000  }
0x1ce: {  	[sflag:s4] =	ssyncset.done $0x0  }
0x1cf: {  	s0 =	rddreg [dreg:$0x12];
	[sflag:s4] =	ssyncadd.s32 $0xFFFFC000  }
0x1d0: {  	[tilespmem:s5], [sflag:$0x1] =	stream.indirect.gather [hbm4b:s3+s6], $0x20, s0, s6, $0xb8;
	[tilespmem:$0x5000] =	vst v63  }
0x1d1: {  	s1 =	rddreg [dreg:$0x13]  }
0x1d2: {  	[tilespmem:s8], [sflag:$0x1] =	stream.indirect.gather [hbm4b:s3+s6], $0x20, s1, s6, $0xb8;
	[tilespmem:$0x5000] =	vst v63  }
0x1d3: {  	s0 =	rddreg [dreg:$0x14]  }
0x1d4: {  	[tilespmem:s9], [sflag:$0x1] =	stream.indirect.gather [hbm4b:s3+s6], $0x20, s0, s6, $0xb8;
	[tilespmem:$0x5000] =	vst v63  }
0x1d5: {  	s1 =	rddreg [dreg:$0x15]  }
0x1d6: {  	[tilespmem:s10], [sflag:$0x1] =	stream.indirect.gather [hbm4b:s3+s6], $0x20, s1, s6, $0xb8;
	[tilespmem:$0x5000] =	vst v63  }
0x1d7: {  	_ =	swait.ge [sflag:s7], $0x1000  }
0x1d8: {  	[sflag:s7] =	ssyncset.done $0x0  }
0x1d9: {  	[sflag:s7] =	ssyncadd.s32 $0xFFFFF000  }
0x1da: {  	_ =	swait.ge [sflag:s7], $0x1000  }
0x1db: {  	[sflag:s7] =	ssyncset.done $0x0  }
0x1dc: {  	[sflag:s7] =	ssyncadd.s32 $0xFFFFF000  }
0x1dd: {  	_ =	swait.ge [sflag:s7], $0x1000  }
0x1de: {  	[sflag:s7] =	ssyncset.done $0x0  }
0x1df: {  	[sflag:s7] =	ssyncadd.s32 $0xFFFFF000  }
0x1e0: {  	_ =	swait.ge [sflag:s7], $0x1000  }
0x1e1: {  	[sflag:s7] =	ssyncset.done $0x0  }
0x1e2: {  	s1 =	rddreg [dreg:$0x6];
	[sflag:s7] =	ssyncadd.s32 $0xFFFFF000  }
0x1e3: {  	[hbm4b:s1+s2] =	stream.linear.scatter [tilespmem:s5], [sflag:$0x2], $0x4000, $0x38;
	[tilespmem:$0x5000] =	vst v63  }
0x1e4: {  	_ =	swait.ge [sflag:s4], $0x4000  }
0x1e5: {  	[sflag:s4] =	ssyncset.done $0x0  }
0x1e6: {  	[sflag:s4] =	ssyncadd.s32 $0xFFFFC000  }
0x1e7: {  	[tilespmem:s5], [sflag:$0x1] =	stream.indirect.gather [hbm4b:s3+s6], $0x20, s29, s6, $0xb8;
	[tilespmem:$0x5000] =	vst v63  }
0x1e8: {  	_ = 	snop  }
0x1e9: {  	[tilespmem:s8], [sflag:$0x1] =	stream.indirect.gather [hbm4b:s3+s6], $0x20, s30, s6, $0xb8;
	[tilespmem:$0x5000] =	vst v63  }
0x1ea: {  	_ = 	snop  }
0x1eb: {  	[tilespmem:s9], [sflag:$0x1] =	stream.indirect.gather [hbm4b:s3+s6], $0x20, s31, s6, $0xb8;
	[tilespmem:$0x5000] =	vst v63  }
0x1ec: {  	_ = 	snop  }
0x1ed: {  	[tilespmem:s10], [sflag:$0x1] =	stream.indirect.gather [hbm4b:s3+s6], $0x20, s15, s6, $0xb8;
	[tilespmem:$0x5000] =	vst v63  }
0x1ee: {  	_ =	swait.ge [sflag:s7], $0x1000  }
0x1ef: {  	[sflag:s7] =	ssyncset.done $0x0  }
0x1f0: {  	[sflag:s7] =	ssyncadd.s32 $0xFFFFF000  }
0x1f1: {  	_ =	swait.ge [sflag:s7], $0x1000  }
0x1f2: {  	[sflag:s7] =	ssyncset.done $0x0  }
0x1f3: {  	[sflag:s7] =	ssyncadd.s32 $0xFFFFF000  }
0x1f4: {  	_ =	swait.ge [sflag:s7], $0x1000  }
0x1f5: {  	[sflag:s7] =	ssyncset.done $0x0  }
0x1f6: {  	[sflag:s7] =	ssyncadd.s32 $0xFFFFF000  }
0x1f7: {  	_ =	swait.ge [sflag:s7], $0x1000  }
0x1f8: {  	[sflag:s7] =	ssyncset.done $0x0  }
0x1f9: {  	s15 =	rddreg [dreg:$0x7];
	[sflag:s7] =	ssyncadd.s32 $0xFFFFF000  }
0x1fa: {  	[hbm4b:s15+s2] =	stream.linear.scatter [tilespmem:s5], [sflag:$0x2], $0x4000, $0x38;
	[tilespmem:$0x5000] =	vst v63  }
0x1fb: {  	_ =	swait.ge [sflag:s4], $0x4000  }
0x1fc: {  	[sflag:s4] =	ssyncset.done $0x0  }
0x1fd: {  	[sflag:s4] =	ssyncadd.s32 $0xFFFFC000  }
0x1fe: {  	[tilespmem:s5], [sflag:$0x1] =	stream.indirect.gather [hbm4b:s3+s6], $0x20, s24, s6, $0xb8;
	[tilespmem:$0x5000] =	vst v63  }
0x1ff: {  	_ = 	snop  }
0x200: {  	[tilespmem:s8], [sflag:$0x1] =	stream.indirect.gather [hbm4b:s3+s6], $0x20, s25, s6, $0xb8;
	[tilespmem:$0x5000] =	vst v63  }
0x201: {  	_ = 	snop  }
0x202: {  	[tilespmem:s9], [sflag:$0x1] =	stream.indirect.gather [hbm4b:s3+s6], $0x20, s26, s6, $0xb8;
	[tilespmem:$0x5000] =	vst v63  }
0x203: {  	_ = 	snop  }
0x204: {  	[tilespmem:s10], [sflag:$0x1] =	stream.indirect.gather [hbm4b:s3+s6], $0x20, s28, s6, $0xb8;
	[tilespmem:$0x5000] =	vst v63  }
0x205: {  	_ =	swait.ge [sflag:s7], $0x1000  }
0x206: {  	[sflag:s7] =	ssyncset.done $0x0  }
0x207: {  	[sflag:s7] =	ssyncadd.s32 $0xFFFFF000  }
0x208: {  	_ =	swait.ge [sflag:s7], $0x1000  }
0x209: {  	[sflag:s7] =	ssyncset.done $0x0  }
0x20a: {  	[sflag:s7] =	ssyncadd.s32 $0xFFFFF000  }
0x20b: {  	_ =	swait.ge [sflag:s7], $0x1000  }
0x20c: {  	[sflag:s7] =	ssyncset.done $0x0  }
0x20d: {  	[sflag:s7] =	ssyncadd.s32 $0xFFFFF000  }
0x20e: {  	_ =	swait.ge [sflag:s7], $0x1000  }
0x20f: {  	[sflag:s7] =	ssyncset.done $0x0  }
0x210: {  	s26 =	rddreg [dreg:$0x8];
	[sflag:s7] =	ssyncadd.s32 $0xFFFFF000  }
0x211: {  	[hbm4b:s26+s2] =	stream.linear.scatter [tilespmem:s5], [sflag:$0x2], $0x4000, $0x38;
	[tilespmem:$0x5000] =	vst v63  }
0x212: {  	_ =	swait.ge [sflag:s4], $0x4000  }
0x213: {  	[sflag:s4] =	ssyncset.done $0x0  }
0x214: {  	[sflag:s4] =	ssyncadd.s32 $0xFFFFC000  }
0x215: {  	[tilespmem:s5], [sflag:$0x1] =	stream.indirect.gather [hbm4b:s3+s6], $0x20, s20, s6, $0xb8;
	[tilespmem:$0x5000] =	vst v63  }
0x216: {  	_ = 	snop  }
0x217: {  	[tilespmem:s8], [sflag:$0x1] =	stream.indirect.gather [hbm4b:s3+s6], $0x20, s21, s6, $0xb8;
	[tilespmem:$0x5000] =	vst v63  }
0x218: {  	_ = 	snop  }
0x219: {  	[tilespmem:s9], [sflag:$0x1] =	stream.indirect.gather [hbm4b:s3+s6], $0x20, s22, s6, $0xb8;
	[tilespmem:$0x5000] =	vst v63  }
0x21a: {  	_ = 	snop  }
0x21b: {  	[tilespmem:s10], [sflag:$0x1] =	stream.indirect.gather [hbm4b:s3+s6], $0x20, s23, s6, $0xb8;
	[tilespmem:$0x5000] =	vst v63  }
0x21c: {  	_ =	swait.ge [sflag:s7], $0x1000  }
0x21d: {  	[sflag:s7] =	ssyncset.done $0x0  }
0x21e: {  	[sflag:s7] =	ssyncadd.s32 $0xFFFFF000  }
0x21f: {  	_ =	swait.ge [sflag:s7], $0x1000  }
0x220: {  	[sflag:s7] =	ssyncset.done $0x0  }
0x221: {  	[sflag:s7] =	ssyncadd.s32 $0xFFFFF000  }
0x222: {  	_ =	swait.ge [sflag:s7], $0x1000  }
0x223: {  	[sflag:s7] =	ssyncset.done $0x0  }
0x224: {  	[sflag:s7] =	ssyncadd.s32 $0xFFFFF000  }
0x225: {  	_ =	swait.ge [sflag:s7], $0x1000  }
0x226: {  	[sflag:s7] =	ssyncset.done $0x0  }
0x227: {  	s28 =	rddreg [dreg:$0x9];
	[sflag:s7] =	ssyncadd.s32 $0xFFFFF000  }
0x228: {  	[hbm4b:s28+s2] =	stream.linear.scatter [tilespmem:s5], [sflag:$0x2], $0x4000, $0x38;
	[tilespmem:$0x5000] =	vst v63  }
0x229: {  	_ =	swait.ge [sflag:s4], $0x4000  }
0x22a: {  	[sflag:s4] =	ssyncset.done $0x0  }
0x22b: {  	[sflag:s4] =	ssyncadd.s32 $0xFFFFC000  }
0x22c: {  	[tilespmem:s5], [sflag:$0x1] =	stream.indirect.gather [hbm4b:s3+s6], $0x20, s16, s6, $0xb8;
	[tilespmem:$0x5000] =	vst v63  }
0x22d: {  	_ = 	snop  }
0x22e: {  	[tilespmem:s8], [sflag:$0x1] =	stream.indirect.gather [hbm4b:s3+s6], $0x20, s17, s6, $0xb8;
	[tilespmem:$0x5000] =	vst v63  }
0x22f: {  	_ = 	snop  }
0x230: {  	[tilespmem:s9], [sflag:$0x1] =	stream.indirect.gather [hbm4b:s3+s6], $0x20, s18, s6, $0xb8;
	[tilespmem:$0x5000] =	vst v63  }
0x231: {  	_ = 	snop  }
0x232: {  	[tilespmem:s10], [sflag:$0x1] =	stream.indirect.gather [hbm4b:s3+s6], $0x20, s19, s6, $0xb8;
	[tilespmem:$0x5000] =	vst v63  }
0x233: {  	_ =	swait.ge [sflag:s7], $0x1000  }
0x234: {  	[sflag:s7] =	ssyncset.done $0x0  }
0x235: {  	[sflag:s7] =	ssyncadd.s32 $0xFFFFF000  }
0x236: {  	_ =	swait.ge [sflag:s7], $0x1000  }
0x237: {  	[sflag:s7] =	ssyncset.done $0x0  }
0x238: {  	[sflag:s7] =	ssyncadd.s32 $0xFFFFF000  }
0x239: {  	_ =	swait.ge [sflag:s7], $0x1000  }
0x23a: {  	[sflag:s7] =	ssyncset.done $0x0  }
0x23b: {  	[sflag:s7] =	ssyncadd.s32 $0xFFFFF000  }
0x23c: {  	_ =	swait.ge [sflag:s7], $0x1000  }
0x23d: {  	[sflag:s7] =	ssyncset.done $0x0  }
0x23e: {  	s29 =	rddreg [dreg:$0xa];
	[sflag:s7] =	ssyncadd.s32 $0xFFFFF000  }
0x23f: {  	[hbm4b:s29+s2] =	stream.linear.scatter [tilespmem:s5], [sflag:$0x2], $0x4000, $0x38;
	[tilespmem:$0x5000] =	vst v63  }
0x240: {  	_ =	swait.ge [sflag:s4], $0x4000  }
0x241: {  	[sflag:s4] =	ssyncset.done $0x0  }
0x242: {  	[sflag:s4] =	ssyncadd.s32 $0xFFFFC000  }
0x243: {  	[tilespmem:s5], [sflag:$0x1] =	stream.indirect.gather [hbm4b:s3+s6], $0x20, s12, s6, $0xb8;
	[tilespmem:$0x5000] =	vst v63  }
0x244: {  	_ = 	snop  }
0x245: {  	[tilespmem:s8], [sflag:$0x1] =	stream.indirect.gather [hbm4b:s3+s6], $0x20, s13, s6, $0xb8;
	[tilespmem:$0x5000] =	vst v63  }
0x246: {  	_ = 	snop  }
0x247: {  	[tilespmem:s9], [sflag:$0x1] =	stream.indirect.gather [hbm4b:s3+s6], $0x20, s14, s6, $0xb8;
	[tilespmem:$0x5000] =	vst v63  }
0x248: {  	s30 =	simm.s32 $0xF80  }
0x249: {  	[tilespmem:s10], [sflag:$0x1] =	stream.indirect.gather [hbm4b:s3+s6], $0x20, s30, s6, $0xb8;
	[tilespmem:$0x5000] =	vst v63  }
0x24a: {  	_ =	swait.ge [sflag:s7], $0x1000  }
0x24b: {  	[sflag:s7] =	ssyncset.done $0x0  }
0x24c: {  	[sflag:s7] =	ssyncadd.s32 $0xFFFFF000  }
0x24d: {  	_ =	swait.ge [sflag:s7], $0x1000  }
0x24e: {  	[sflag:s7] =	ssyncset.done $0x0  }
0x24f: {  	[sflag:s7] =	ssyncadd.s32 $0xFFFFF000  }
0x250: {  	_ =	swait.ge [sflag:s7], $0x1000  }
0x251: {  	[sflag:s7] =	ssyncset.done $0x0  }
0x252: {  	[sflag:s7] =	ssyncadd.s32 $0xFFFFF000  }
0x253: {  	_ =	swait.ge [sflag:s7], $0x1000  }
0x254: {  	[sflag:s7] =	ssyncset.done $0x0  }
0x255: {  	s31 =	rddreg [dreg:$0xb];
	[sflag:s7] =	ssyncadd.s32 $0xFFFFF000  }
0x256: {  	[hbm4b:s31+s2] =	stream.linear.scatter [tilespmem:s5], [sflag:$0x2], $0x4000, $0x38;
	[tilespmem:$0x5000] =	vst v63  }
0x257: {  	_ =	swait.ge [sflag:s4], $0x4000  }
0x258: {  	[sflag:s4] =	ssyncset.done $0x0  }
0x259: {  	[sflag:s4] =	ssyncadd.s32 $0xFFFFC000  }
0x25a: {  	_ =	sfence.sel $0x180000  }
0x25b: {  	[bflag:$0x0] =	sbarrier.arrive $0xFFFF  }
0x25c: {  	_ =	strace $0x90000047  }
0x25d: {  	[bflag:$0x2] =	sbarrier.arrive $0xFFFF  }
0x25e: {  	p0 =	sne.s32 s11, $0x0;
	s0 =	rddreg [dreg:$0x2]  }
0x25f: {  	s0 =	sadd.s32 @!p0 $0x100000, s0  }
0x260: {  	[sflag:s0] =	ssyncadd.tile.s32 @!p0 $0x1;
	_ =	shalt  }
.LBB2_1:
0x261: {  	s15 =	simm.s32 $0x780;
	s31 =	simm.s32 $0x700  }
0x262: {  	s30 =	simm.s32 $0x680;
	s29 =	simm.s32 $0x600;
	s28 =	simm.s32 $0x980  }
.Ltmp3:
0x263: {  	s26 =	simm.s32 $0x900;
	s25 =	simm.s32 $0x880;
	(pc) =	sbr.rel .LBB2_6-.Ltmp3, $4  }
0x264: {  	s24 =	simm.s32 $0x800;
	s23 =	simm.s32 $0xB80;
	s22 =	simm.s32 $0xB00  }
0x265: {  	s21 =	simm.s32 $0xA80;
	s20 =	simm.s32 $0xA00;
	s19 =	simm.s32 $0xD80  }
0x266: {  	s18 =	simm.s32 $0xD00;
	s17 =	simm.s32 $0xC80;
	s16 =	simm.s32 $0xC00  }
0x267: {  	s14 =	simm.s32 $0xF00;
	s13 =	simm.s32 $0xE80;
	s12 =	simm.s32 $0xE00  }
.LBB2_3:
0x268: {  	s15 =	simm.s32 $0x780;
	s31 =	simm.s32 $0x700;
	s30 =	simm.s32 $0x680  }
0x269: {  	s29 =	simm.s32 $0x600;
	s28 =	simm.s32 $0x980;
	s26 =	simm.s32 $0x900  }
.Ltmp4:
0x26a: {  	s25 =	simm.s32 $0x880;
	s24 =	simm.s32 $0x800;
	(pc) =	sbr.rel .LBB2_6-.Ltmp4, $4  }
0x26b: {  	s23 =	simm.s32 $0xB80;
	s22 =	simm.s32 $0xB00;
	s21 =	simm.s32 $0xA80  }
0x26c: {  	s20 =	simm.s32 $0xA00;
	s19 =	simm.s32 $0xD80;
	s18 =	simm.s32 $0xD00  }
0x26d: {  	s17 =	simm.s32 $0xC80;
	s16 =	simm.s32 $0xC00;
	s14 =	simm.s32 $0xF00  }
0x26e: {  	s13 =	simm.s32 $0xE80;
	s12 =	simm.s32 $0xE00;
	s11 =	stileid.u32  }
.Lfunc_end2:
_tile_overlayer_lowered:
.L_overlay_start_2:
0x26f: {  	(tag) =	ssettag $0x2  }
0x270: {  	s0 =	rddreg [dreg:$0x0];
	s2 =	stileid.u32  }
0x271: {  	s1 =	rddreg [dreg:$0x1];
	p0 =	sne.s32 s2, $0x0  }
0x272: {  	s3 =	rddreg [dreg:$0x2];
	[bflag:$0x3] =	sbarrier.arrive $0xFFFF;
	s2 =	simm.s32 @!p0 $0x1C02  }
0x273: {  	[timem:s3], [sflag:s2] =	dma.local @!p0 [hbm:s0], s1  }
0x274: {  	s0 =	simm.s32 @!p0 $0x2  }
0x275: {  	_ =	swait.ge @!p0 [sflag:s0], s1  }
0x276: {  	s1 =	ssub.s32 @!p0 $0x0, s1;
	[sflag:s0] =	ssyncset.done @!p0 $0x0  }
0x277: {  	[sflag:s0] =	ssyncadd.s32 @!p0 s1  }
0x278: {  	[bflag:$0x3] =	sbarrier.arrive $0xFFFF  }
0x279: {  	_ =	shalt  }

</sc_bundles>
